<compile_context>
chip_gen: v7x
topology: tpu7x:2x2x1
jax: 0.10.2.dev20260603
libtpu: 0.0.44.dev20260713+nightly
codegen_flags: <defaults>
</compile_context>

<pallas_src>
import functools

import jax
import jax.numpy as jnp
from jax import lax
from jax.experimental import pallas as pl
from jax.experimental.pallas import tpu as pltpu
from jax.experimental.pallas import tpu_sc as plsc

B, L, D = 4096, 200, 64
DP = 128
H = B * L
NW = 32
SMALL_PER_W = B // NW
HIST_PER_W = H // NW
CHUNK = 128
OUTER = HIST_PER_W // CHUNK

_mesh = plsc.VectorSubcoreMesh(core_axis_name="c", subcore_axis_name="s")


@functools.partial(
    pl.kernel,
    mesh=_mesh,
    out_type=[
        jax.ShapeDtypeStruct((B, DP), jnp.float32),
        jax.ShapeDtypeStruct((H, DP), jnp.float32),
        jax.ShapeDtypeStruct((H, DP), jnp.float32),
        jax.ShapeDtypeStruct((B, DP), jnp.float32),
        jax.ShapeDtypeStruct((B, DP), jnp.float32),
    ],
    scratch_types=[
        pltpu.VMEM((HIST_PER_W,), jnp.int32),
        pltpu.VMEM((HIST_PER_W,), jnp.int32),
        pltpu.VMEM((SMALL_PER_W,), jnp.int32),
        pltpu.VMEM((CHUNK, DP), jnp.float32),
        pltpu.VMEM((CHUNK, DP), jnp.float32),
        pltpu.VMEM((CHUNK, DP), jnp.float32),
        pltpu.VMEM((CHUNK, DP), jnp.float32),
        pltpu.SemaphoreType.DMA,
        pltpu.SemaphoreType.DMA,
        pltpu.SemaphoreType.DMA,
        pltpu.SemaphoreType.DMA,
        pltpu.SemaphoreType.DMA,
        pltpu.SemaphoreType.DMA,
        pltpu.SemaphoreType.DMA,
        pltpu.SemaphoreType.DMA,
    ],
)
def _embed_all(user_i, mat_i, cat_i, mh_i, ch_i,
               user_t, mid_t, cid_t,
               user_o, mh_o, ch_o, mat_o, cat_o,
               midx_v, cidx_v, sidx_v,
               mbuf0, mbuf1, cbuf0, cbuf1,
               mg0, mg1, cg0, cg1, mw0, mw1, cw0, cw1):
    wid = lax.axis_index("s") * 2 + lax.axis_index("c")
    sbase = wid * SMALL_PER_W
    hbase = wid * HIST_PER_W

    def small(idx_hbm, table, out):
        pltpu.sync_copy(idx_hbm.at[pl.ds(sbase, SMALL_PER_W)], sidx_v)
        pltpu.async_copy(table.at[sidx_v],
                         mbuf0.at[pl.ds(0, SMALL_PER_W)], mg0).wait()
        pltpu.sync_copy(mbuf0.at[pl.ds(0, SMALL_PER_W)],
                        out.at[pl.ds(sbase, SMALL_PER_W)])

    small(user_i, user_t, user_o)
    small(mat_i, mid_t, mat_o)
    small(cat_i, cid_t, cat_o)

    pltpu.sync_copy(mh_i.at[pl.ds(hbase, HIST_PER_W)], midx_v)
    pltpu.sync_copy(ch_i.at[pl.ds(hbase, HIST_PER_W)], cidx_v)

    mbufs, cbufs = (mbuf0, mbuf1), (cbuf0, cbuf1)
    mgs, cgs = (mg0, mg1), (cg0, cg1)
    mws, cws = (mw0, mw1), (cw0, cw1)

    def fire(table, idx_v, bufs, gsems, t, b):
        pltpu.async_copy(table.at[idx_v.at[pl.ds(t * CHUNK, CHUNK)]],
                         bufs[b], gsems[b])

    def drain(table, bufs, gsems, b):
        pltpu.make_async_copy(table.at[pl.ds(0, CHUNK)], bufs[b],
                              gsems[b]).wait()

    def write(out, bufs, wsems, t, b):
        pltpu.async_copy(bufs[b], out.at[pl.ds(hbase + t * CHUNK, CHUNK)],
                         wsems[b])

    def wait_write(out, bufs, wsems, b):
        pltpu.make_async_copy(bufs[b], out.at[pl.ds(hbase, CHUNK)],
                              wsems[b]).wait()

    fire(mid_t, midx_v, mbufs, mgs, 0, 0)
    fire(cid_t, cidx_v, cbufs, cgs, 0, 0)
    fire(mid_t, midx_v, mbufs, mgs, 1, 1)
    fire(cid_t, cidx_v, cbufs, cgs, 1, 1)

    @pl.loop(0, OUTER - 2, step=2)
    def _(t):
        drain(mid_t, mbufs, mgs, 0)
        write(mh_o, mbufs, mws, t, 0)
        drain(cid_t, cbufs, cgs, 0)
        write(ch_o, cbufs, cws, t, 0)
        drain(mid_t, mbufs, mgs, 1)
        write(mh_o, mbufs, mws, t + 1, 1)
        drain(cid_t, cbufs, cgs, 1)
        write(ch_o, cbufs, cws, t + 1, 1)
        wait_write(mh_o, mbufs, mws, 0)
        fire(mid_t, midx_v, mbufs, mgs, t + 2, 0)
        wait_write(ch_o, cbufs, cws, 0)
        fire(cid_t, cidx_v, cbufs, cgs, t + 2, 0)
        wait_write(mh_o, mbufs, mws, 1)
        fire(mid_t, midx_v, mbufs, mgs, t + 3, 1)
        wait_write(ch_o, cbufs, cws, 1)
        fire(cid_t, cidx_v, cbufs, cgs, t + 3, 1)

    drain(mid_t, mbufs, mgs, 0)
    write(mh_o, mbufs, mws, OUTER - 2, 0)
    drain(cid_t, cbufs, cgs, 0)
    write(ch_o, cbufs, cws, OUTER - 2, 0)
    drain(mid_t, mbufs, mgs, 1)
    write(mh_o, mbufs, mws, OUTER - 1, 1)
    drain(cid_t, cbufs, cgs, 1)
    write(ch_o, cbufs, cws, OUTER - 1, 1)
    wait_write(mh_o, mbufs, mws, 0)
    wait_write(ch_o, cbufs, cws, 0)
    wait_write(mh_o, mbufs, mws, 1)
    wait_write(ch_o, cbufs, cws, 1)


def kernel(user, material, category, material_historical, category_historical,
           material_historical_neg, category_historical_neg,
           user_table, mid_table, cid_table):
    del material_historical_neg, category_historical_neg
    ui = user.astype(jnp.int32)
    mi = material.astype(jnp.int32)
    ci = category.astype(jnp.int32)
    mh = material_historical.astype(jnp.int32).reshape(H)
    ch = category_historical.astype(jnp.int32).reshape(H)
    pad = ((0, 0), (0, DP - D))
    user_tp = jnp.pad(user_table, pad)
    mid_tp = jnp.pad(mid_table, pad)
    cid_tp = jnp.pad(cid_table, pad)
    user_e, mh_e, ch_e, mat_e, cat_e = _embed_all(
        ui, mi, ci, mh, ch, user_tp, mid_tp, cid_tp)
    return (user_e[:, :D],
            mh_e[:, :D].reshape(B, L, D),
            ch_e[:, :D].reshape(B, L, D),
            mat_e[:, :D],
            cat_e[:, :D])

# --- scband reference (transcript-rebuilt; emitter-appended) ---
"""Pipeline reference for scband-input-embedding-46136538694081 (READ-ONLY COPY).

The authoritative reference and input builder live on the scoring server;
editing this copy changes nothing except your own understanding.
"""

import jax, jax.numpy as jnp
import numpy as np

B, L, D = 4096, 200, 64
N_UID, N_MID, N_CID = 100000, 1000000, 1000

def setup_inputs(seed: int = 0) -> dict:
    key = jax.random.key(seed)
    ks = jax.random.split(key, 10)
    return {
        "user": jax.random.randint(ks[0], (B,), 0, N_UID),
        "material": jax.random.randint(ks[1], (B,), 0, N_MID),
        "category": jax.random.randint(ks[2], (B,), 0, N_CID),
        "material_historical": jax.random.randint(ks[3], (B, L), 0, N_MID),
        "category_historical": jax.random.randint(ks[4], (B, L), 0, N_CID),
        "material_historical_neg": jax.random.randint(ks[5], (B, L), 0, N_MID),
        "category_historical_neg": jax.random.randint(ks[6], (B, L), 0, N_CID),
        "user_table": jax.random.normal(ks[7], (N_UID, D), dtype=jnp.float32) * 0.02,
        "mid_table": jax.random.normal(ks[8], (N_MID, D), dtype=jnp.float32) * 0.02,
        "cid_table": jax.random.normal(ks[9], (N_CID, D), dtype=jnp.float32) * 0.02,
    }

def reference(user, material, category, material_historical, category_historical,
              material_historical_neg, category_historical_neg,
              user_table, mid_table, cid_table):
    # neg_smaple=False (torch default): neg embeddings are None and omitted here.
    user_embedding = jnp.take(user_table, user, axis=0)
    material_embedding = jnp.take(mid_table, material, axis=0)
    material_historical_embedding = jnp.take(mid_table, material_historical, axis=0)
    category_embedding = jnp.take(cid_table, category, axis=0)
    category_historical_embedding = jnp.take(cid_table, category_historical, axis=0)
    ans = [user_embedding, material_historical_embedding, category_historical_embedding,
           material_embedding, category_embedding]
    return tuple(jnp.squeeze(x) for x in ans)

if __name__ == "__main__":
    import jax
    _d = setup_inputs()
    print(jax.jit(kernel)(*tuple(_d.values())))

</pallas_src>

<mosaic_0001>
#map = affine_map<(d0, d1) -> (0)>
#map1 = affine_map<(d0, d1) -> (0, 0)>
module attributes {stable_mosaic.version = 14 : i64} {
  func.func @_embed_all(%arg0: i32, %arg1: i32, %arg2: memref<4096xi32, #tpu.memory_space<hbm>>, %arg3: memref<4096xi32, #tpu.memory_space<hbm>>, %arg4: memref<4096xi32, #tpu.memory_space<hbm>>, %arg5: memref<819200xi32, #tpu.memory_space<hbm>>, %arg6: memref<819200xi32, #tpu.memory_space<hbm>>, %arg7: memref<100000x128xf32, #tpu.memory_space<hbm>>, %arg8: memref<1000000x128xf32, #tpu.memory_space<hbm>>, %arg9: memref<1000x128xf32, #tpu.memory_space<hbm>>, %arg10: memref<4096x128xf32, #tpu.memory_space<hbm>>, %arg11: memref<819200x128xf32, #tpu.memory_space<hbm>>, %arg12: memref<819200x128xf32, #tpu.memory_space<hbm>>, %arg13: memref<4096x128xf32, #tpu.memory_space<hbm>>, %arg14: memref<4096x128xf32, #tpu.memory_space<hbm>>, %arg15: memref<25600xi32, #tpu.memory_space<vmem>>, %arg16: memref<25600xi32, #tpu.memory_space<vmem>>, %arg17: memref<128xi32, #tpu.memory_space<vmem>>, %arg18: memref<128x128xf32, #tpu.memory_space<vmem>>, %arg19: memref<128x128xf32, #tpu.memory_space<vmem>>, %arg20: memref<128x128xf32, #tpu.memory_space<vmem>>, %arg21: memref<128x128xf32, #tpu.memory_space<vmem>>, %arg22: memref<!tpu.dma_semaphore, #tpu.memory_space<semaphore_mem>>, %arg23: memref<!tpu.dma_semaphore, #tpu.memory_space<semaphore_mem>>, %arg24: memref<!tpu.dma_semaphore, #tpu.memory_space<semaphore_mem>>, %arg25: memref<!tpu.dma_semaphore, #tpu.memory_space<semaphore_mem>>, %arg26: memref<!tpu.dma_semaphore, #tpu.memory_space<semaphore_mem>>, %arg27: memref<!tpu.dma_semaphore, #tpu.memory_space<semaphore_mem>>, %arg28: memref<!tpu.dma_semaphore, #tpu.memory_space<semaphore_mem>>, %arg29: memref<!tpu.dma_semaphore, #tpu.memory_space<semaphore_mem>>) attributes {dimension_semantics = [#tpu.dimension_semantics<core_parallel>, #tpu.dimension_semantics<subcore_parallel>], iteration_bounds = array<i64: 2, 16>, scalar_prefetch = 0 : i64, scratch_operands = 15 : i64, tpu.core_type = #tpu.core_type<sc_vector_subcore>, window_params = [{transform_indices = #map}, {transform_indices = #map}, {transform_indices = #map}, {transform_indices = #map}, {transform_indices = #map}, {transform_indices = #map1}, {transform_indices = #map1}, {transform_indices = #map1}, {transform_indices = #map1}, {transform_indices = #map1}, {transform_indices = #map1}, {transform_indices = #map1}, {transform_indices = #map1}]} {
    %mul3A = arith.constant 2 : i32
    %mul3A_0 = arith.muli %arg1, %mul3A : i32
    %add3A = arith.addi %mul3A_0, %arg0 : i32
    %mul3A_1 = arith.constant 128 : i32
    %mul3A_2 = arith.muli %add3A, %mul3A_1 : i32
    %mul3A_3 = arith.constant 25600 : i32
    %mul3A_4 = arith.muli %add3A, %mul3A_3 : i32
    "tpu.region"() ({
      %run_scoped3A = tpu.sem_alloc : memref<!tpu.dma_semaphore, #tpu.memory_space<semaphore_mem>>
      %dma_start3A_127 = tpu.memref_slice %arg2[%mul3A_2] : memref<4096xi32, #tpu.memory_space<hbm>> -> memref<128xi32, #tpu.memory_space<hbm>>
      %dma_start3A_128 = tpu.memref_slice %arg2[%mul3A_2] : memref<4096xi32, #tpu.memory_space<hbm>> -> memref<128xi32, #tpu.memory_space<hbm>>
      tpu.enqueue_dma source(%dma_start3A_128 : memref<128xi32, #tpu.memory_space<hbm>>) target(%arg17 : memref<128xi32, #tpu.memory_space<vmem>>) target_semaphore(%run_scoped3A : memref<!tpu.dma_semaphore, #tpu.memory_space<semaphore_mem>>)
      %dma_wait3A_129 = tpu.memref_slice %arg2[%mul3A_2] : memref<4096xi32, #tpu.memory_space<hbm>> -> memref<128xi32, #tpu.memory_space<hbm>>
      %dma_wait3A_130 = tpu.memref_slice %arg2[%mul3A_2] : memref<4096xi32, #tpu.memory_space<hbm>> -> memref<128xi32, #tpu.memory_space<hbm>>
      tpu.wait_dma2 semaphore(%run_scoped3A : memref<!tpu.dma_semaphore, #tpu.memory_space<semaphore_mem>>) src(%dma_wait3A_130 : memref<128xi32, #tpu.memory_space<hbm>>) dst(%arg17 : memref<128xi32, #tpu.memory_space<vmem>>)
      tpu.yield
    }) : () -> ()
    %dma_start3A = arith.constant 0 : i32
    %dma_start3A_5 = arith.constant 0 : i32
    %dma_start3A_6 = tpu.memref_slice %arg18[%dma_start3A, %dma_start3A_5] : memref<128x128xf32, #tpu.memory_space<vmem>> -> memref<128x128xf32, #tpu.memory_space<vmem>>
    %dma_start3A_7 = arith.constant 0 : i32
    %dma_start3A_8 = arith.constant 0 : i32
    %dma_start3A_9 = tpu.memref_slice %arg7[%dma_start3A_7, %dma_start3A_8] : memref<100000x128xf32, #tpu.memory_space<hbm>> -> memref<100000x128xf32, #tpu.memory_space<hbm>>
    tpu.enqueue_indirect_dma source(%dma_start3A_9 : memref<100000x128xf32, #tpu.memory_space<hbm>>) target(%dma_start3A_6 : memref<128x128xf32, #tpu.memory_space<vmem>>) offsets(%arg17 : memref<128xi32, #tpu.memory_space<vmem>>) semaphore(%arg22 : memref<!tpu.dma_semaphore, #tpu.memory_space<semaphore_mem>>)
    %dma_wait3A = arith.constant 0 : i32
    %dma_wait3A_10 = arith.constant 0 : i32
    %dma_wait3A_11 = tpu.memref_slice %arg18[%dma_wait3A, %dma_wait3A_10] : memref<128x128xf32, #tpu.memory_space<vmem>> -> memref<128x128xf32, #tpu.memory_space<vmem>>
    %dma_wait3A_12 = arith.constant 0 : i32
    %dma_wait3A_13 = arith.constant 0 : i32
    %dma_wait3A_14 = tpu.memref_slice %arg7[%dma_wait3A_12, %dma_wait3A_13] : memref<100000x128xf32, #tpu.memory_space<hbm>> -> memref<100000x128xf32, #tpu.memory_space<hbm>>
    tpu.wait_indirect_dma semaphore(%arg22 : memref<!tpu.dma_semaphore, #tpu.memory_space<semaphore_mem>>) src(%dma_wait3A_14 : memref<100000x128xf32, #tpu.memory_space<hbm>>) dst(%dma_wait3A_11 : memref<128x128xf32, #tpu.memory_space<vmem>>)
    "tpu.region"() ({
      %run_scoped3A = tpu.sem_alloc : memref<!tpu.dma_semaphore, #tpu.memory_space<semaphore_mem>>
      %dma_start3A_127 = arith.constant 0 : i32
      %dma_start3A_128 = arith.constant 0 : i32
      %dma_start3A_129 = tpu.memref_slice %arg18[%dma_start3A_127, %dma_start3A_128] : memref<128x128xf32, #tpu.memory_space<vmem>> -> memref<128x128xf32, #tpu.memory_space<vmem>>
      %dma_start3A_130 = arith.constant 0 : i32
      %dma_start3A_131 = tpu.memref_slice %arg10[%mul3A_2, %dma_start3A_130] : memref<4096x128xf32, #tpu.memory_space<hbm>> -> memref<128x128xf32, #tpu.memory_space<hbm>>
      %dma_start3A_132 = arith.constant 0 : i32
      %dma_start3A_133 = tpu.memref_slice %arg10[%mul3A_2, %dma_start3A_132] : memref<4096x128xf32, #tpu.memory_space<hbm>> -> memref<128x128xf32, #tpu.memory_space<hbm>>
      %dma_start3A_134 = arith.constant 0 : i32
      %dma_start3A_135 = arith.constant 0 : i32
      %dma_start3A_136 = tpu.memref_slice %arg18[%dma_start3A_134, %dma_start3A_135] : memref<128x128xf32, #tpu.memory_space<vmem>> -> memref<128x128xf32, #tpu.memory_space<vmem>>
      tpu.enqueue_dma source(%dma_start3A_136 : memref<128x128xf32, #tpu.memory_space<vmem>>) target(%dma_start3A_133 : memref<128x128xf32, #tpu.memory_space<hbm>>) target_semaphore(%run_scoped3A : memref<!tpu.dma_semaphore, #tpu.memory_space<semaphore_mem>>)
      %dma_wait3A_137 = arith.constant 0 : i32
      %dma_wait3A_138 = arith.constant 0 : i32
      %dma_wait3A_139 = tpu.memref_slice %arg18[%dma_wait3A_137, %dma_wait3A_138] : memref<128x128xf32, #tpu.memory_space<vmem>> -> memref<128x128xf32, #tpu.memory_space<vmem>>
      %dma_wait3A_140 = arith.constant 0 : i32
      %dma_wait3A_141 = tpu.memref_slice %arg10[%mul3A_2, %dma_wait3A_140] : memref<4096x128xf32, #tpu.memory_space<hbm>> -> memref<128x128xf32, #tpu.memory_space<hbm>>
      %dma_wait3A_142 = arith.constant 0 : i32
      %dma_wait3A_143 = tpu.memref_slice %arg10[%mul3A_2, %dma_wait3A_142] : memref<4096x128xf32, #tpu.memory_space<hbm>> -> memref<128x128xf32, #tpu.memory_space<hbm>>
      %dma_wait3A_144 = arith.constant 0 : i32
      %dma_wait3A_145 = arith.constant 0 : i32
      %dma_wait3A_146 = tpu.memref_slice %arg18[%dma_wait3A_144, %dma_wait3A_145] : memref<128x128xf32, #tpu.memory_space<vmem>> -> memref<128x128xf32, #tpu.memory_space<vmem>>
      tpu.wait_dma2 semaphore(%run_scoped3A : memref<!tpu.dma_semaphore, #tpu.memory_space<semaphore_mem>>) src(%dma_wait3A_146 : memref<128x128xf32, #tpu.memory_space<vmem>>) dst(%dma_wait3A_143 : memref<128x128xf32, #tpu.memory_space<hbm>>)
      tpu.yield
    }) : () -> ()
    "tpu.region"() ({
      %run_scoped3A = tpu.sem_alloc : memref<!tpu.dma_semaphore, #tpu.memory_space<semaphore_mem>>
      %dma_start3A_127 = tpu.memref_slice %arg3[%mul3A_2] : memref<4096xi32, #tpu.memory_space<hbm>> -> memref<128xi32, #tpu.memory_space<hbm>>
      %dma_start3A_128 = tpu.memref_slice %arg3[%mul3A_2] : memref<4096xi32, #tpu.memory_space<hbm>> -> memref<128xi32, #tpu.memory_space<hbm>>
      tpu.enqueue_dma source(%dma_start3A_128 : memref<128xi32, #tpu.memory_space<hbm>>) target(%arg17 : memref<128xi32, #tpu.memory_space<vmem>>) target_semaphore(%run_scoped3A : memref<!tpu.dma_semaphore, #tpu.memory_space<semaphore_mem>>)
      %dma_wait3A_129 = tpu.memref_slice %arg3[%mul3A_2] : memref<4096xi32, #tpu.memory_space<hbm>> -> memref<128xi32, #tpu.memory_space<hbm>>
      %dma_wait3A_130 = tpu.memref_slice %arg3[%mul3A_2] : memref<4096xi32, #tpu.memory_space<hbm>> -> memref<128xi32, #tpu.memory_space<hbm>>
      tpu.wait_dma2 semaphore(%run_scoped3A : memref<!tpu.dma_semaphore, #tpu.memory_space<semaphore_mem>>) src(%dma_wait3A_130 : memref<128xi32, #tpu.memory_space<hbm>>) dst(%arg17 : memref<128xi32, #tpu.memory_space<vmem>>)
      tpu.yield
    }) : () -> ()
    %dma_start3A_15 = arith.constant 0 : i32
    %dma_start3A_16 = arith.constant 0 : i32
    %dma_start3A_17 = tpu.memref_slice %arg18[%dma_start3A_15, %dma_start3A_16] : memref<128x128xf32, #tpu.memory_space<vmem>> -> memref<128x128xf32, #tpu.memory_space<vmem>>
    %dma_start3A_18 = arith.constant 0 : i32
    %dma_start3A_19 = arith.constant 0 : i32
    %dma_start3A_20 = tpu.memref_slice %arg8[%dma_start3A_18, %dma_start3A_19] : memref<1000000x128xf32, #tpu.memory_space<hbm>> -> memref<1000000x128xf32, #tpu.memory_space<hbm>>
    tpu.enqueue_indirect_dma source(%dma_start3A_20 : memref<1000000x128xf32, #tpu.memory_space<hbm>>) target(%dma_start3A_17 : memref<128x128xf32, #tpu.memory_space<vmem>>) offsets(%arg17 : memref<128xi32, #tpu.memory_space<vmem>>) semaphore(%arg22 : memref<!tpu.dma_semaphore, #tpu.memory_space<semaphore_mem>>)
    %dma_wait3A_21 = arith.constant 0 : i32
    %dma_wait3A_22 = arith.constant 0 : i32
    %dma_wait3A_23 = tpu.memref_slice %arg18[%dma_wait3A_21, %dma_wait3A_22] : memref<128x128xf32, #tpu.memory_space<vmem>> -> memref<128x128xf32, #tpu.memory_space<vmem>>
    %dma_wait3A_24 = arith.constant 0 : i32
    %dma_wait3A_25 = arith.constant 0 : i32
    %dma_wait3A_26 = tpu.memref_slice %arg8[%dma_wait3A_24, %dma_wait3A_25] : memref<1000000x128xf32, #tpu.memory_space<hbm>> -> memref<1000000x128xf32, #tpu.memory_space<hbm>>
    tpu.wait_indirect_dma semaphore(%arg22 : memref<!tpu.dma_semaphore, #tpu.memory_space<semaphore_mem>>) src(%dma_wait3A_26 : memref<1000000x128xf32, #tpu.memory_space<hbm>>) dst(%dma_wait3A_23 : memref<128x128xf32, #tpu.memory_space<vmem>>)
    "tpu.region"() ({
      %run_scoped3A = tpu.sem_alloc : memref<!tpu.dma_semaphore, #tpu.memory_space<semaphore_mem>>
      %dma_start3A_127 = arith.constant 0 : i32
      %dma_start3A_128 = arith.constant 0 : i32
      %dma_start3A_129 = tpu.memref_slice %arg18[%dma_start3A_127, %dma_start3A_128] : memref<128x128xf32, #tpu.memory_space<vmem>> -> memref<128x128xf32, #tpu.memory_space<vmem>>
      %dma_start3A_130 = arith.constant 0 : i32
      %dma_start3A_131 = tpu.memref_slice %arg13[%mul3A_2, %dma_start3A_130] : memref<4096x128xf32, #tpu.memory_space<hbm>> -> memref<128x128xf32, #tpu.memory_space<hbm>>
      %dma_start3A_132 = arith.constant 0 : i32
      %dma_start3A_133 = tpu.memref_slice %arg13[%mul3A_2, %dma_start3A_132] : memref<4096x128xf32, #tpu.memory_space<hbm>> -> memref<128x128xf32, #tpu.memory_space<hbm>>
      %dma_start3A_134 = arith.constant 0 : i32
      %dma_start3A_135 = arith.constant 0 : i32
      %dma_start3A_136 = tpu.memref_slice %arg18[%dma_start3A_134, %dma_start3A_135] : memref<128x128xf32, #tpu.memory_space<vmem>> -> memref<128x128xf32, #tpu.memory_space<vmem>>
      tpu.enqueue_dma source(%dma_start3A_136 : memref<128x128xf32, #tpu.memory_space<vmem>>) target(%dma_start3A_133 : memref<128x128xf32, #tpu.memory_space<hbm>>) target_semaphore(%run_scoped3A : memref<!tpu.dma_semaphore, #tpu.memory_space<semaphore_mem>>)
      %dma_wait3A_137 = arith.constant 0 : i32
      %dma_wait3A_138 = arith.constant 0 : i32
      %dma_wait3A_139 = tpu.memref_slice %arg18[%dma_wait3A_137, %dma_wait3A_138] : memref<128x128xf32, #tpu.memory_space<vmem>> -> memref<128x128xf32, #tpu.memory_space<vmem>>
      %dma_wait3A_140 = arith.constant 0 : i32
      %dma_wait3A_141 = tpu.memref_slice %arg13[%mul3A_2, %dma_wait3A_140] : memref<4096x128xf32, #tpu.memory_space<hbm>> -> memref<128x128xf32, #tpu.memory_space<hbm>>
      %dma_wait3A_142 = arith.constant 0 : i32
      %dma_wait3A_143 = tpu.memref_slice %arg13[%mul3A_2, %dma_wait3A_142] : memref<4096x128xf32, #tpu.memory_space<hbm>> -> memref<128x128xf32, #tpu.memory_space<hbm>>
      %dma_wait3A_144 = arith.constant 0 : i32
      %dma_wait3A_145 = arith.constant 0 : i32
      %dma_wait3A_146 = tpu.memref_slice %arg18[%dma_wait3A_144, %dma_wait3A_145] : memref<128x128xf32, #tpu.memory_space<vmem>> -> memref<128x128xf32, #tpu.memory_space<vmem>>
      tpu.wait_dma2 semaphore(%run_scoped3A : memref<!tpu.dma_semaphore, #tpu.memory_space<semaphore_mem>>) src(%dma_wait3A_146 : memref<128x128xf32, #tpu.memory_space<vmem>>) dst(%dma_wait3A_143 : memref<128x128xf32, #tpu.memory_space<hbm>>)
      tpu.yield
    }) : () -> ()
    "tpu.region"() ({
      %run_scoped3A = tpu.sem_alloc : memref<!tpu.dma_semaphore, #tpu.memory_space<semaphore_mem>>
      %dma_start3A_127 = tpu.memref_slice %arg4[%mul3A_2] : memref<4096xi32, #tpu.memory_space<hbm>> -> memref<128xi32, #tpu.memory_space<hbm>>
      %dma_start3A_128 = tpu.memref_slice %arg4[%mul3A_2] : memref<4096xi32, #tpu.memory_space<hbm>> -> memref<128xi32, #tpu.memory_space<hbm>>
      tpu.enqueue_dma source(%dma_start3A_128 : memref<128xi32, #tpu.memory_space<hbm>>) target(%arg17 : memref<128xi32, #tpu.memory_space<vmem>>) target_semaphore(%run_scoped3A : memref<!tpu.dma_semaphore, #tpu.memory_space<semaphore_mem>>)
      %dma_wait3A_129 = tpu.memref_slice %arg4[%mul3A_2] : memref<4096xi32, #tpu.memory_space<hbm>> -> memref<128xi32, #tpu.memory_space<hbm>>
      %dma_wait3A_130 = tpu.memref_slice %arg4[%mul3A_2] : memref<4096xi32, #tpu.memory_space<hbm>> -> memref<128xi32, #tpu.memory_space<hbm>>
      tpu.wait_dma2 semaphore(%run_scoped3A : memref<!tpu.dma_semaphore, #tpu.memory_space<semaphore_mem>>) src(%dma_wait3A_130 : memref<128xi32, #tpu.memory_space<hbm>>) dst(%arg17 : memref<128xi32, #tpu.memory_space<vmem>>)
      tpu.yield
    }) : () -> ()
    %dma_start3A_27 = arith.constant 0 : i32
    %dma_start3A_28 = arith.constant 0 : i32
    %dma_start3A_29 = tpu.memref_slice %arg18[%dma_start3A_27, %dma_start3A_28] : memref<128x128xf32, #tpu.memory_space<vmem>> -> memref<128x128xf32, #tpu.memory_space<vmem>>
    %dma_start3A_30 = arith.constant 0 : i32
    %dma_start3A_31 = arith.constant 0 : i32
    %dma_start3A_32 = tpu.memref_slice %arg9[%dma_start3A_30, %dma_start3A_31] : memref<1000x128xf32, #tpu.memory_space<hbm>> -> memref<1000x128xf32, #tpu.memory_space<hbm>>
    tpu.enqueue_indirect_dma source(%dma_start3A_32 : memref<1000x128xf32, #tpu.memory_space<hbm>>) target(%dma_start3A_29 : memref<128x128xf32, #tpu.memory_space<vmem>>) offsets(%arg17 : memref<128xi32, #tpu.memory_space<vmem>>) semaphore(%arg22 : memref<!tpu.dma_semaphore, #tpu.memory_space<semaphore_mem>>)
    %dma_wait3A_33 = arith.constant 0 : i32
    %dma_wait3A_34 = arith.constant 0 : i32
    %dma_wait3A_35 = tpu.memref_slice %arg18[%dma_wait3A_33, %dma_wait3A_34] : memref<128x128xf32, #tpu.memory_space<vmem>> -> memref<128x128xf32, #tpu.memory_space<vmem>>
    %dma_wait3A_36 = arith.constant 0 : i32
    %dma_wait3A_37 = arith.constant 0 : i32
    %dma_wait3A_38 = tpu.memref_slice %arg9[%dma_wait3A_36, %dma_wait3A_37] : memref<1000x128xf32, #tpu.memory_space<hbm>> -> memref<1000x128xf32, #tpu.memory_space<hbm>>
    tpu.wait_indirect_dma semaphore(%arg22 : memref<!tpu.dma_semaphore, #tpu.memory_space<semaphore_mem>>) src(%dma_wait3A_38 : memref<1000x128xf32, #tpu.memory_space<hbm>>) dst(%dma_wait3A_35 : memref<128x128xf32, #tpu.memory_space<vmem>>)
    "tpu.region"() ({
      %run_scoped3A = tpu.sem_alloc : memref<!tpu.dma_semaphore, #tpu.memory_space<semaphore_mem>>
      %dma_start3A_127 = arith.constant 0 : i32
      %dma_start3A_128 = arith.constant 0 : i32
      %dma_start3A_129 = tpu.memref_slice %arg18[%dma_start3A_127, %dma_start3A_128] : memref<128x128xf32, #tpu.memory_space<vmem>> -> memref<128x128xf32, #tpu.memory_space<vmem>>
      %dma_start3A_130 = arith.constant 0 : i32
      %dma_start3A_131 = tpu.memref_slice %arg14[%mul3A_2, %dma_start3A_130] : memref<4096x128xf32, #tpu.memory_space<hbm>> -> memref<128x128xf32, #tpu.memory_space<hbm>>
      %dma_start3A_132 = arith.constant 0 : i32
      %dma_start3A_133 = tpu.memref_slice %arg14[%mul3A_2, %dma_start3A_132] : memref<4096x128xf32, #tpu.memory_space<hbm>> -> memref<128x128xf32, #tpu.memory_space<hbm>>
      %dma_start3A_134 = arith.constant 0 : i32
      %dma_start3A_135 = arith.constant 0 : i32
      %dma_start3A_136 = tpu.memref_slice %arg18[%dma_start3A_134, %dma_start3A_135] : memref<128x128xf32, #tpu.memory_space<vmem>> -> memref<128x128xf32, #tpu.memory_space<vmem>>
      tpu.enqueue_dma source(%dma_start3A_136 : memref<128x128xf32, #tpu.memory_space<vmem>>) target(%dma_start3A_133 : memref<128x128xf32, #tpu.memory_space<hbm>>) target_semaphore(%run_scoped3A : memref<!tpu.dma_semaphore, #tpu.memory_space<semaphore_mem>>)
      %dma_wait3A_137 = arith.constant 0 : i32
      %dma_wait3A_138 = arith.constant 0 : i32
      %dma_wait3A_139 = tpu.memref_slice %arg18[%dma_wait3A_137, %dma_wait3A_138] : memref<128x128xf32, #tpu.memory_space<vmem>> -> memref<128x128xf32, #tpu.memory_space<vmem>>
      %dma_wait3A_140 = arith.constant 0 : i32
      %dma_wait3A_141 = tpu.memref_slice %arg14[%mul3A_2, %dma_wait3A_140] : memref<4096x128xf32, #tpu.memory_space<hbm>> -> memref<128x128xf32, #tpu.memory_space<hbm>>
      %dma_wait3A_142 = arith.constant 0 : i32
      %dma_wait3A_143 = tpu.memref_slice %arg14[%mul3A_2, %dma_wait3A_142] : memref<4096x128xf32, #tpu.memory_space<hbm>> -> memref<128x128xf32, #tpu.memory_space<hbm>>
      %dma_wait3A_144 = arith.constant 0 : i32
      %dma_wait3A_145 = arith.constant 0 : i32
      %dma_wait3A_146 = tpu.memref_slice %arg18[%dma_wait3A_144, %dma_wait3A_145] : memref<128x128xf32, #tpu.memory_space<vmem>> -> memref<128x128xf32, #tpu.memory_space<vmem>>
      tpu.wait_dma2 semaphore(%run_scoped3A : memref<!tpu.dma_semaphore, #tpu.memory_space<semaphore_mem>>) src(%dma_wait3A_146 : memref<128x128xf32, #tpu.memory_space<vmem>>) dst(%dma_wait3A_143 : memref<128x128xf32, #tpu.memory_space<hbm>>)
      tpu.yield
    }) : () -> ()
    "tpu.region"() ({
      %run_scoped3A = tpu.sem_alloc : memref<!tpu.dma_semaphore, #tpu.memory_space<semaphore_mem>>
      %dma_start3A_127 = tpu.memref_slice %arg5[%mul3A_4] : memref<819200xi32, #tpu.memory_space<hbm>> -> memref<25600xi32, #tpu.memory_space<hbm>>
      %dma_start3A_128 = tpu.memref_slice %arg5[%mul3A_4] : memref<819200xi32, #tpu.memory_space<hbm>> -> memref<25600xi32, #tpu.memory_space<hbm>>
      tpu.enqueue_dma source(%dma_start3A_128 : memref<25600xi32, #tpu.memory_space<hbm>>) target(%arg15 : memref<25600xi32, #tpu.memory_space<vmem>>) target_semaphore(%run_scoped3A : memref<!tpu.dma_semaphore, #tpu.memory_space<semaphore_mem>>)
      %dma_wait3A_129 = tpu.memref_slice %arg5[%mul3A_4] : memref<819200xi32, #tpu.memory_space<hbm>> -> memref<25600xi32, #tpu.memory_space<hbm>>
      %dma_wait3A_130 = tpu.memref_slice %arg5[%mul3A_4] : memref<819200xi32, #tpu.memory_space<hbm>> -> memref<25600xi32, #tpu.memory_space<hbm>>
      tpu.wait_dma2 semaphore(%run_scoped3A : memref<!tpu.dma_semaphore, #tpu.memory_space<semaphore_mem>>) src(%dma_wait3A_130 : memref<25600xi32, #tpu.memory_space<hbm>>) dst(%arg15 : memref<25600xi32, #tpu.memory_space<vmem>>)
      tpu.yield
    }) : () -> ()
    "tpu.region"() ({
      %run_scoped3A = tpu.sem_alloc : memref<!tpu.dma_semaphore, #tpu.memory_space<semaphore_mem>>
      %dma_start3A_127 = tpu.memref_slice %arg6[%mul3A_4] : memref<819200xi32, #tpu.memory_space<hbm>> -> memref<25600xi32, #tpu.memory_space<hbm>>
      %dma_start3A_128 = tpu.memref_slice %arg6[%mul3A_4] : memref<819200xi32, #tpu.memory_space<hbm>> -> memref<25600xi32, #tpu.memory_space<hbm>>
      tpu.enqueue_dma source(%dma_start3A_128 : memref<25600xi32, #tpu.memory_space<hbm>>) target(%arg16 : memref<25600xi32, #tpu.memory_space<vmem>>) target_semaphore(%run_scoped3A : memref<!tpu.dma_semaphore, #tpu.memory_space<semaphore_mem>>)
      %dma_wait3A_129 = tpu.memref_slice %arg6[%mul3A_4] : memref<819200xi32, #tpu.memory_space<hbm>> -> memref<25600xi32, #tpu.memory_space<hbm>>
      %dma_wait3A_130 = tpu.memref_slice %arg6[%mul3A_4] : memref<819200xi32, #tpu.memory_space<hbm>> -> memref<25600xi32, #tpu.memory_space<hbm>>
      tpu.wait_dma2 semaphore(%run_scoped3A : memref<!tpu.dma_semaphore, #tpu.memory_space<semaphore_mem>>) src(%dma_wait3A_130 : memref<25600xi32, #tpu.memory_space<hbm>>) dst(%arg16 : memref<25600xi32, #tpu.memory_space<vmem>>)
      tpu.yield
    }) : () -> ()
    %dma_start3A_39 = arith.constant 0 : i32
    %dma_start3A_40 = tpu.memref_slice %arg15[%dma_start3A_39] : memref<25600xi32, #tpu.memory_space<vmem>> -> memref<128xi32, #tpu.memory_space<vmem>>
    %dma_start3A_41 = arith.constant 0 : i32
    %dma_start3A_42 = arith.constant 0 : i32
    %dma_start3A_43 = tpu.memref_slice %arg8[%dma_start3A_41, %dma_start3A_42] : memref<1000000x128xf32, #tpu.memory_space<hbm>> -> memref<1000000x128xf32, #tpu.memory_space<hbm>>
    tpu.enqueue_indirect_dma source(%dma_start3A_43 : memref<1000000x128xf32, #tpu.memory_space<hbm>>) target(%arg18 : memref<128x128xf32, #tpu.memory_space<vmem>>) offsets(%dma_start3A_40 : memref<128xi32, #tpu.memory_space<vmem>>) semaphore(%arg22 : memref<!tpu.dma_semaphore, #tpu.memory_space<semaphore_mem>>)
    %dma_start3A_44 = arith.constant 0 : i32
    %dma_start3A_45 = tpu.memref_slice %arg16[%dma_start3A_44] : memref<25600xi32, #tpu.memory_space<vmem>> -> memref<128xi32, #tpu.memory_space<vmem>>
    %dma_start3A_46 = arith.constant 0 : i32
    %dma_start3A_47 = arith.constant 0 : i32
    %dma_start3A_48 = tpu.memref_slice %arg9[%dma_start3A_46, %dma_start3A_47] : memref<1000x128xf32, #tpu.memory_space<hbm>> -> memref<1000x128xf32, #tpu.memory_space<hbm>>
    tpu.enqueue_indirect_dma source(%dma_start3A_48 : memref<1000x128xf32, #tpu.memory_space<hbm>>) target(%arg20 : memref<128x128xf32, #tpu.memory_space<vmem>>) offsets(%dma_start3A_45 : memref<128xi32, #tpu.memory_space<vmem>>) semaphore(%arg24 : memref<!tpu.dma_semaphore, #tpu.memory_space<semaphore_mem>>)
    %dma_start3A_49 = arith.constant 128 : i32
    %dma_start3A_50 = tpu.memref_slice %arg15[%dma_start3A_49] : memref<25600xi32, #tpu.memory_space<vmem>> -> memref<128xi32, #tpu.memory_space<vmem>>
    %dma_start3A_51 = arith.constant 0 : i32
    %dma_start3A_52 = arith.constant 0 : i32
    %dma_start3A_53 = tpu.memref_slice %arg8[%dma_start3A_51, %dma_start3A_52] : memref<1000000x128xf32, #tpu.memory_space<hbm>> -> memref<1000000x128xf32, #tpu.memory_space<hbm>>
    tpu.enqueue_indirect_dma source(%dma_start3A_53 : memref<1000000x128xf32, #tpu.memory_space<hbm>>) target(%arg19 : memref<128x128xf32, #tpu.memory_space<vmem>>) offsets(%dma_start3A_50 : memref<128xi32, #tpu.memory_space<vmem>>) semaphore(%arg23 : memref<!tpu.dma_semaphore, #tpu.memory_space<semaphore_mem>>)
    %dma_start3A_54 = arith.constant 128 : i32
    %dma_start3A_55 = tpu.memref_slice %arg16[%dma_start3A_54] : memref<25600xi32, #tpu.memory_space<vmem>> -> memref<128xi32, #tpu.memory_space<vmem>>
    %dma_start3A_56 = arith.constant 0 : i32
    %dma_start3A_57 = arith.constant 0 : i32
    %dma_start3A_58 = tpu.memref_slice %arg9[%dma_start3A_56, %dma_start3A_57] : memref<1000x128xf32, #tpu.memory_space<hbm>> -> memref<1000x128xf32, #tpu.memory_space<hbm>>
    tpu.enqueue_indirect_dma source(%dma_start3A_58 : memref<1000x128xf32, #tpu.memory_space<hbm>>) target(%arg21 : memref<128x128xf32, #tpu.memory_space<vmem>>) offsets(%dma_start3A_55 : memref<128xi32, #tpu.memory_space<vmem>>) semaphore(%arg25 : memref<!tpu.dma_semaphore, #tpu.memory_space<semaphore_mem>>)
    %scan3A = arith.constant 0 : i32
    %scan3A_59 = arith.constant 99 : i32
    %scan3A_60 = arith.addi %scan3A, %scan3A_59 : i32
    %scan3A_61 = arith.constant 1 : i32
    scf.for %scan3A_127 = %scan3A to %scan3A_60 step %scan3A_61  : i32 {
      %mul3A_128 = arith.constant 2 : i32
      %mul3A_129 = arith.muli %scan3A_127, %mul3A_128 : i32
      %add3A_130 = arith.constant 0 : i32
      %add3A_131 = arith.addi %add3A_130, %mul3A_129 : i32
      %dma_wait3A_132 = arith.constant 0 : i32
      %dma_wait3A_133 = arith.constant 0 : i32
      %dma_wait3A_134 = tpu.memref_slice %arg8[%dma_wait3A_132, %dma_wait3A_133] : memref<1000000x128xf32, #tpu.memory_space<hbm>> -> memref<128x128xf32, #tpu.memory_space<hbm>>
      %dma_wait3A_135 = arith.constant 0 : i32
      %dma_wait3A_136 = arith.constant 0 : i32
      %dma_wait3A_137 = tpu.memref_slice %arg8[%dma_wait3A_135, %dma_wait3A_136] : memref<1000000x128xf32, #tpu.memory_space<hbm>> -> memref<128x128xf32, #tpu.memory_space<hbm>>
      tpu.wait_dma2 semaphore(%arg22 : memref<!tpu.dma_semaphore, #tpu.memory_space<semaphore_mem>>) src(%dma_wait3A_137 : memref<128x128xf32, #tpu.memory_space<hbm>>) dst(%arg18 : memref<128x128xf32, #tpu.memory_space<vmem>>)
      %mul3A_138 = arith.constant 128 : i32
      %mul3A_139 = arith.muli %add3A_131, %mul3A_138 : i32
      %add3A_140 = arith.addi %mul3A_4, %mul3A_139 : i32
      %dma_start3A_141 = arith.constant 0 : i32
      %dma_start3A_142 = tpu.memref_slice %arg11[%add3A_140, %dma_start3A_141] : memref<819200x128xf32, #tpu.memory_space<hbm>> -> memref<128x128xf32, #tpu.memory_space<hbm>>
      %dma_start3A_143 = arith.constant 0 : i32
      %dma_start3A_144 = tpu.memref_slice %arg11[%add3A_140, %dma_start3A_143] : memref<819200x128xf32, #tpu.memory_space<hbm>> -> memref<128x128xf32, #tpu.memory_space<hbm>>
      tpu.enqueue_dma source(%arg18 : memref<128x128xf32, #tpu.memory_space<vmem>>) target(%dma_start3A_144 : memref<128x128xf32, #tpu.memory_space<hbm>>) target_semaphore(%arg26 : memref<!tpu.dma_semaphore, #tpu.memory_space<semaphore_mem>>)
      %dma_wait3A_145 = arith.constant 0 : i32
      %dma_wait3A_146 = arith.constant 0 : i32
      %dma_wait3A_147 = tpu.memref_slice %arg9[%dma_wait3A_145, %dma_wait3A_146] : memref<1000x128xf32, #tpu.memory_space<hbm>> -> memref<128x128xf32, #tpu.memory_space<hbm>>
      %dma_wait3A_148 = arith.constant 0 : i32
      %dma_wait3A_149 = arith.constant 0 : i32
      %dma_wait3A_150 = tpu.memref_slice %arg9[%dma_wait3A_148, %dma_wait3A_149] : memref<1000x128xf32, #tpu.memory_space<hbm>> -> memref<128x128xf32, #tpu.memory_space<hbm>>
      tpu.wait_dma2 semaphore(%arg24 : memref<!tpu.dma_semaphore, #tpu.memory_space<semaphore_mem>>) src(%dma_wait3A_150 : memref<128x128xf32, #tpu.memory_space<hbm>>) dst(%arg20 : memref<128x128xf32, #tpu.memory_space<vmem>>)
      %mul3A_151 = arith.constant 128 : i32
      %mul3A_152 = arith.muli %add3A_131, %mul3A_151 : i32
      %add3A_153 = arith.addi %mul3A_4, %mul3A_152 : i32
      %dma_start3A_154 = arith.constant 0 : i32
      %dma_start3A_155 = tpu.memref_slice %arg12[%add3A_153, %dma_start3A_154] : memref<819200x128xf32, #tpu.memory_space<hbm>> -> memref<128x128xf32, #tpu.memory_space<hbm>>
      %dma_start3A_156 = arith.constant 0 : i32
      %dma_start3A_157 = tpu.memref_slice %arg12[%add3A_153, %dma_start3A_156] : memref<819200x128xf32, #tpu.memory_space<hbm>> -> memref<128x128xf32, #tpu.memory_space<hbm>>
      tpu.enqueue_dma source(%arg20 : memref<128x128xf32, #tpu.memory_space<vmem>>) target(%dma_start3A_157 : memref<128x128xf32, #tpu.memory_space<hbm>>) target_semaphore(%arg28 : memref<!tpu.dma_semaphore, #tpu.memory_space<semaphore_mem>>)
      %dma_wait3A_158 = arith.constant 0 : i32
      %dma_wait3A_159 = arith.constant 0 : i32
      %dma_wait3A_160 = tpu.memref_slice %arg8[%dma_wait3A_158, %dma_wait3A_159] : memref<1000000x128xf32, #tpu.memory_space<hbm>> -> memref<128x128xf32, #tpu.memory_space<hbm>>
      %dma_wait3A_161 = arith.constant 0 : i32
      %dma_wait3A_162 = arith.constant 0 : i32
      %dma_wait3A_163 = tpu.memref_slice %arg8[%dma_wait3A_161, %dma_wait3A_162] : memref<1000000x128xf32, #tpu.memory_space<hbm>> -> memref<128x128xf32, #tpu.memory_space<hbm>>
      tpu.wait_dma2 semaphore(%arg23 : memref<!tpu.dma_semaphore, #tpu.memory_space<semaphore_mem>>) src(%dma_wait3A_163 : memref<128x128xf32, #tpu.memory_space<hbm>>) dst(%arg19 : memref<128x128xf32, #tpu.memory_space<vmem>>)
      %add3A_164 = arith.constant 1 : i32
      %add3A_165 = arith.addi %add3A_131, %add3A_164 : i32
      %mul3A_166 = arith.constant 128 : i32
      %mul3A_167 = arith.muli %add3A_165, %mul3A_166 : i32
      %add3A_168 = arith.addi %mul3A_4, %mul3A_167 : i32
      %dma_start3A_169 = arith.constant 0 : i32
      %dma_start3A_170 = tpu.memref_slice %arg11[%add3A_168, %dma_start3A_169] : memref<819200x128xf32, #tpu.memory_space<hbm>> -> memref<128x128xf32, #tpu.memory_space<hbm>>
      %dma_start3A_171 = arith.constant 0 : i32
      %dma_start3A_172 = tpu.memref_slice %arg11[%add3A_168, %dma_start3A_171] : memref<819200x128xf32, #tpu.memory_space<hbm>> -> memref<128x128xf32, #tpu.memory_space<hbm>>
      tpu.enqueue_dma source(%arg19 : memref<128x128xf32, #tpu.memory_space<vmem>>) target(%dma_start3A_172 : memref<128x128xf32, #tpu.memory_space<hbm>>) target_semaphore(%arg27 : memref<!tpu.dma_semaphore, #tpu.memory_space<semaphore_mem>>)
      %dma_wait3A_173 = arith.constant 0 : i32
      %dma_wait3A_174 = arith.constant 0 : i32
      %dma_wait3A_175 = tpu.memref_slice %arg9[%dma_wait3A_173, %dma_wait3A_174] : memref<1000x128xf32, #tpu.memory_space<hbm>> -> memref<128x128xf32, #tpu.memory_space<hbm>>
      %dma_wait3A_176 = arith.constant 0 : i32
      %dma_wait3A_177 = arith.constant 0 : i32
      %dma_wait3A_178 = tpu.memref_slice %arg9[%dma_wait3A_176, %dma_wait3A_177] : memref<1000x128xf32, #tpu.memory_space<hbm>> -> memref<128x128xf32, #tpu.memory_space<hbm>>
      tpu.wait_dma2 semaphore(%arg25 : memref<!tpu.dma_semaphore, #tpu.memory_space<semaphore_mem>>) src(%dma_wait3A_178 : memref<128x128xf32, #tpu.memory_space<hbm>>) dst(%arg21 : memref<128x128xf32, #tpu.memory_space<vmem>>)
      %add3A_179 = arith.constant 1 : i32
      %add3A_180 = arith.addi %add3A_131, %add3A_179 : i32
      %mul3A_181 = arith.constant 128 : i32
      %mul3A_182 = arith.muli %add3A_180, %mul3A_181 : i32
      %add3A_183 = arith.addi %mul3A_4, %mul3A_182 : i32
      %dma_start3A_184 = arith.constant 0 : i32
      %dma_start3A_185 = tpu.memref_slice %arg12[%add3A_183, %dma_start3A_184] : memref<819200x128xf32, #tpu.memory_space<hbm>> -> memref<128x128xf32, #tpu.memory_space<hbm>>
      %dma_start3A_186 = arith.constant 0 : i32
      %dma_start3A_187 = tpu.memref_slice %arg12[%add3A_183, %dma_start3A_186] : memref<819200x128xf32, #tpu.memory_space<hbm>> -> memref<128x128xf32, #tpu.memory_space<hbm>>
      tpu.enqueue_dma source(%arg21 : memref<128x128xf32, #tpu.memory_space<vmem>>) target(%dma_start3A_187 : memref<128x128xf32, #tpu.memory_space<hbm>>) target_semaphore(%arg29 : memref<!tpu.dma_semaphore, #tpu.memory_space<semaphore_mem>>)
      %dma_wait3A_188 = arith.constant 0 : i32
      %dma_wait3A_189 = tpu.memref_slice %arg11[%mul3A_4, %dma_wait3A_188] : memref<819200x128xf32, #tpu.memory_space<hbm>> -> memref<128x128xf32, #tpu.memory_space<hbm>>
      %dma_wait3A_190 = arith.constant 0 : i32
      %dma_wait3A_191 = tpu.memref_slice %arg11[%mul3A_4, %dma_wait3A_190] : memref<819200x128xf32, #tpu.memory_space<hbm>> -> memref<128x128xf32, #tpu.memory_space<hbm>>
      tpu.wait_dma2 semaphore(%arg26 : memref<!tpu.dma_semaphore, #tpu.memory_space<semaphore_mem>>) src(%arg18 : memref<128x128xf32, #tpu.memory_space<vmem>>) dst(%dma_wait3A_191 : memref<128x128xf32, #tpu.memory_space<hbm>>)
      %add3A_192 = arith.constant 2 : i32
      %add3A_193 = arith.addi %add3A_131, %add3A_192 : i32
      %mul3A_194 = arith.constant 128 : i32
      %mul3A_195 = arith.muli %add3A_193, %mul3A_194 : i32
      %dma_start3A_196 = tpu.memref_slice %arg15[%mul3A_195] : memref<25600xi32, #tpu.memory_space<vmem>> -> memref<128xi32, #tpu.memory_space<vmem>>
      %dma_start3A_197 = arith.constant 0 : i32
      %dma_start3A_198 = arith.constant 0 : i32
      %dma_start3A_199 = tpu.memref_slice %arg8[%dma_start3A_197, %dma_start3A_198] : memref<1000000x128xf32, #tpu.memory_space<hbm>> -> memref<1000000x128xf32, #tpu.memory_space<hbm>>
      tpu.enqueue_indirect_dma source(%dma_start3A_199 : memref<1000000x128xf32, #tpu.memory_space<hbm>>) target(%arg18 : memref<128x128xf32, #tpu.memory_space<vmem>>) offsets(%dma_start3A_196 : memref<128xi32, #tpu.memory_space<vmem>>) semaphore(%arg22 : memref<!tpu.dma_semaphore, #tpu.memory_space<semaphore_mem>>)
      %dma_wait3A_200 = arith.constant 0 : i32
      %dma_wait3A_201 = tpu.memref_slice %arg12[%mul3A_4, %dma_wait3A_200] : memref<819200x128xf32, #tpu.memory_space<hbm>> -> memref<128x128xf32, #tpu.memory_space<hbm>>
      %dma_wait3A_202 = arith.constant 0 : i32
      %dma_wait3A_203 = tpu.memref_slice %arg12[%mul3A_4, %dma_wait3A_202] : memref<819200x128xf32, #tpu.memory_space<hbm>> -> memref<128x128xf32, #tpu.memory_space<hbm>>
      tpu.wait_dma2 semaphore(%arg28 : memref<!tpu.dma_semaphore, #tpu.memory_space<semaphore_mem>>) src(%arg20 : memref<128x128xf32, #tpu.memory_space<vmem>>) dst(%dma_wait3A_203 : memref<128x128xf32, #tpu.memory_space<hbm>>)
      %add3A_204 = arith.constant 2 : i32
      %add3A_205 = arith.addi %add3A_131, %add3A_204 : i32
      %mul3A_206 = arith.constant 128 : i32
      %mul3A_207 = arith.muli %add3A_205, %mul3A_206 : i32
      %dma_start3A_208 = tpu.memref_slice %arg16[%mul3A_207] : memref<25600xi32, #tpu.memory_space<vmem>> -> memref<128xi32, #tpu.memory_space<vmem>>
      %dma_start3A_209 = arith.constant 0 : i32
      %dma_start3A_210 = arith.constant 0 : i32
      %dma_start3A_211 = tpu.memref_slice %arg9[%dma_start3A_209, %dma_start3A_210] : memref<1000x128xf32, #tpu.memory_space<hbm>> -> memref<1000x128xf32, #tpu.memory_space<hbm>>
      tpu.enqueue_indirect_dma source(%dma_start3A_211 : memref<1000x128xf32, #tpu.memory_space<hbm>>) target(%arg20 : memref<128x128xf32, #tpu.memory_space<vmem>>) offsets(%dma_start3A_208 : memref<128xi32, #tpu.memory_space<vmem>>) semaphore(%arg24 : memref<!tpu.dma_semaphore, #tpu.memory_space<semaphore_mem>>)
      %dma_wait3A_212 = arith.constant 0 : i32
      %dma_wait3A_213 = tpu.memref_slice %arg11[%mul3A_4, %dma_wait3A_212] : memref<819200x128xf32, #tpu.memory_space<hbm>> -> memref<128x128xf32, #tpu.memory_space<hbm>>
      %dma_wait3A_214 = arith.constant 0 : i32
      %dma_wait3A_215 = tpu.memref_slice %arg11[%mul3A_4, %dma_wait3A_214] : memref<819200x128xf32, #tpu.memory_space<hbm>> -> memref<128x128xf32, #tpu.memory_space<hbm>>
      tpu.wait_dma2 semaphore(%arg27 : memref<!tpu.dma_semaphore, #tpu.memory_space<semaphore_mem>>) src(%arg19 : memref<128x128xf32, #tpu.memory_space<vmem>>) dst(%dma_wait3A_215 : memref<128x128xf32, #tpu.memory_space<hbm>>)
      %add3A_216 = arith.constant 3 : i32
      %add3A_217 = arith.addi %add3A_131, %add3A_216 : i32
      %mul3A_218 = arith.constant 128 : i32
      %mul3A_219 = arith.muli %add3A_217, %mul3A_218 : i32
      %dma_start3A_220 = tpu.memref_slice %arg15[%mul3A_219] : memref<25600xi32, #tpu.memory_space<vmem>> -> memref<128xi32, #tpu.memory_space<vmem>>
      %dma_start3A_221 = arith.constant 0 : i32
      %dma_start3A_222 = arith.constant 0 : i32
      %dma_start3A_223 = tpu.memref_slice %arg8[%dma_start3A_221, %dma_start3A_222] : memref<1000000x128xf32, #tpu.memory_space<hbm>> -> memref<1000000x128xf32, #tpu.memory_space<hbm>>
      tpu.enqueue_indirect_dma source(%dma_start3A_223 : memref<1000000x128xf32, #tpu.memory_space<hbm>>) target(%arg19 : memref<128x128xf32, #tpu.memory_space<vmem>>) offsets(%dma_start3A_220 : memref<128xi32, #tpu.memory_space<vmem>>) semaphore(%arg23 : memref<!tpu.dma_semaphore, #tpu.memory_space<semaphore_mem>>)
      %dma_wait3A_224 = arith.constant 0 : i32
      %dma_wait3A_225 = tpu.memref_slice %arg12[%mul3A_4, %dma_wait3A_224] : memref<819200x128xf32, #tpu.memory_space<hbm>> -> memref<128x128xf32, #tpu.memory_space<hbm>>
      %dma_wait3A_226 = arith.constant 0 : i32
      %dma_wait3A_227 = tpu.memref_slice %arg12[%mul3A_4, %dma_wait3A_226] : memref<819200x128xf32, #tpu.memory_space<hbm>> -> memref<128x128xf32, #tpu.memory_space<hbm>>
      tpu.wait_dma2 semaphore(%arg29 : memref<!tpu.dma_semaphore, #tpu.memory_space<semaphore_mem>>) src(%arg21 : memref<128x128xf32, #tpu.memory_space<vmem>>) dst(%dma_wait3A_227 : memref<128x128xf32, #tpu.memory_space<hbm>>)
      %add3A_228 = arith.constant 3 : i32
      %add3A_229 = arith.addi %add3A_131, %add3A_228 : i32
      %mul3A_230 = arith.constant 128 : i32
      %mul3A_231 = arith.muli %add3A_229, %mul3A_230 : i32
      %dma_start3A_232 = tpu.memref_slice %arg16[%mul3A_231] : memref<25600xi32, #tpu.memory_space<vmem>> -> memref<128xi32, #tpu.memory_space<vmem>>
      %dma_start3A_233 = arith.constant 0 : i32
      %dma_start3A_234 = arith.constant 0 : i32
      %dma_start3A_235 = tpu.memref_slice %arg9[%dma_start3A_233, %dma_start3A_234] : memref<1000x128xf32, #tpu.memory_space<hbm>> -> memref<1000x128xf32, #tpu.memory_space<hbm>>
      tpu.enqueue_indirect_dma source(%dma_start3A_235 : memref<1000x128xf32, #tpu.memory_space<hbm>>) target(%arg21 : memref<128x128xf32, #tpu.memory_space<vmem>>) offsets(%dma_start3A_232 : memref<128xi32, #tpu.memory_space<vmem>>) semaphore(%arg25 : memref<!tpu.dma_semaphore, #tpu.memory_space<semaphore_mem>>)
    }
    %scan3A_62 = arith.constant 99 : i32
    %dma_wait3A_63 = arith.constant 0 : i32
    %dma_wait3A_64 = arith.constant 0 : i32
    %dma_wait3A_65 = tpu.memref_slice %arg8[%dma_wait3A_63, %dma_wait3A_64] : memref<1000000x128xf32, #tpu.memory_space<hbm>> -> memref<128x128xf32, #tpu.memory_space<hbm>>
    %dma_wait3A_66 = arith.constant 0 : i32
    %dma_wait3A_67 = arith.constant 0 : i32
    %dma_wait3A_68 = tpu.memref_slice %arg8[%dma_wait3A_66, %dma_wait3A_67] : memref<1000000x128xf32, #tpu.memory_space<hbm>> -> memref<128x128xf32, #tpu.memory_space<hbm>>
    tpu.wait_dma2 semaphore(%arg22 : memref<!tpu.dma_semaphore, #tpu.memory_space<semaphore_mem>>) src(%dma_wait3A_68 : memref<128x128xf32, #tpu.memory_space<hbm>>) dst(%arg18 : memref<128x128xf32, #tpu.memory_space<vmem>>)
    %add3A_69 = arith.constant 25344 : i32
    %add3A_70 = arith.addi %mul3A_4, %add3A_69 : i32
    %dma_start3A_71 = arith.constant 0 : i32
    %dma_start3A_72 = tpu.memref_slice %arg11[%add3A_70, %dma_start3A_71] : memref<819200x128xf32, #tpu.memory_space<hbm>> -> memref<128x128xf32, #tpu.memory_space<hbm>>
    %dma_start3A_73 = arith.constant 0 : i32
    %dma_start3A_74 = tpu.memref_slice %arg11[%add3A_70, %dma_start3A_73] : memref<819200x128xf32, #tpu.memory_space<hbm>> -> memref<128x128xf32, #tpu.memory_space<hbm>>
    tpu.enqueue_dma source(%arg18 : memref<128x128xf32, #tpu.memory_space<vmem>>) target(%dma_start3A_74 : memref<128x128xf32, #tpu.memory_space<hbm>>) target_semaphore(%arg26 : memref<!tpu.dma_semaphore, #tpu.memory_space<semaphore_mem>>)
    %dma_wait3A_75 = arith.constant 0 : i32
    %dma_wait3A_76 = arith.constant 0 : i32
    %dma_wait3A_77 = tpu.memref_slice %arg9[%dma_wait3A_75, %dma_wait3A_76] : memref<1000x128xf32, #tpu.memory_space<hbm>> -> memref<128x128xf32, #tpu.memory_space<hbm>>
    %dma_wait3A_78 = arith.constant 0 : i32
    %dma_wait3A_79 = arith.constant 0 : i32
    %dma_wait3A_80 = tpu.memref_slice %arg9[%dma_wait3A_78, %dma_wait3A_79] : memref<1000x128xf32, #tpu.memory_space<hbm>> -> memref<128x128xf32, #tpu.memory_space<hbm>>
    tpu.wait_dma2 semaphore(%arg24 : memref<!tpu.dma_semaphore, #tpu.memory_space<semaphore_mem>>) src(%dma_wait3A_80 : memref<128x128xf32, #tpu.memory_space<hbm>>) dst(%arg20 : memref<128x128xf32, #tpu.memory_space<vmem>>)
    %add3A_81 = arith.constant 25344 : i32
    %add3A_82 = arith.addi %mul3A_4, %add3A_81 : i32
    %dma_start3A_83 = arith.constant 0 : i32
    %dma_start3A_84 = tpu.memref_slice %arg12[%add3A_82, %dma_start3A_83] : memref<819200x128xf32, #tpu.memory_space<hbm>> -> memref<128x128xf32, #tpu.memory_space<hbm>>
    %dma_start3A_85 = arith.constant 0 : i32
    %dma_start3A_86 = tpu.memref_slice %arg12[%add3A_82, %dma_start3A_85] : memref<819200x128xf32, #tpu.memory_space<hbm>> -> memref<128x128xf32, #tpu.memory_space<hbm>>
    tpu.enqueue_dma source(%arg20 : memref<128x128xf32, #tpu.memory_space<vmem>>) target(%dma_start3A_86 : memref<128x128xf32, #tpu.memory_space<hbm>>) target_semaphore(%arg28 : memref<!tpu.dma_semaphore, #tpu.memory_space<semaphore_mem>>)
    %dma_wait3A_87 = arith.constant 0 : i32
    %dma_wait3A_88 = arith.constant 0 : i32
    %dma_wait3A_89 = tpu.memref_slice %arg8[%dma_wait3A_87, %dma_wait3A_88] : memref<1000000x128xf32, #tpu.memory_space<hbm>> -> memref<128x128xf32, #tpu.memory_space<hbm>>
    %dma_wait3A_90 = arith.constant 0 : i32
    %dma_wait3A_91 = arith.constant 0 : i32
    %dma_wait3A_92 = tpu.memref_slice %arg8[%dma_wait3A_90, %dma_wait3A_91] : memref<1000000x128xf32, #tpu.memory_space<hbm>> -> memref<128x128xf32, #tpu.memory_space<hbm>>
    tpu.wait_dma2 semaphore(%arg23 : memref<!tpu.dma_semaphore, #tpu.memory_space<semaphore_mem>>) src(%dma_wait3A_92 : memref<128x128xf32, #tpu.memory_space<hbm>>) dst(%arg19 : memref<128x128xf32, #tpu.memory_space<vmem>>)
    %add3A_93 = arith.constant 25472 : i32
    %add3A_94 = arith.addi %mul3A_4, %add3A_93 : i32
    %dma_start3A_95 = arith.constant 0 : i32
    %dma_start3A_96 = tpu.memref_slice %arg11[%add3A_94, %dma_start3A_95] : memref<819200x128xf32, #tpu.memory_space<hbm>> -> memref<128x128xf32, #tpu.memory_space<hbm>>
    %dma_start3A_97 = arith.constant 0 : i32
    %dma_start3A_98 = tpu.memref_slice %arg11[%add3A_94, %dma_start3A_97] : memref<819200x128xf32, #tpu.memory_space<hbm>> -> memref<128x128xf32, #tpu.memory_space<hbm>>
    tpu.enqueue_dma source(%arg19 : memref<128x128xf32, #tpu.memory_space<vmem>>) target(%dma_start3A_98 : memref<128x128xf32, #tpu.memory_space<hbm>>) target_semaphore(%arg27 : memref<!tpu.dma_semaphore, #tpu.memory_space<semaphore_mem>>)
    %dma_wait3A_99 = arith.constant 0 : i32
    %dma_wait3A_100 = arith.constant 0 : i32
    %dma_wait3A_101 = tpu.memref_slice %arg9[%dma_wait3A_99, %dma_wait3A_100] : memref<1000x128xf32, #tpu.memory_space<hbm>> -> memref<128x128xf32, #tpu.memory_space<hbm>>
    %dma_wait3A_102 = arith.constant 0 : i32
    %dma_wait3A_103 = arith.constant 0 : i32
    %dma_wait3A_104 = tpu.memref_slice %arg9[%dma_wait3A_102, %dma_wait3A_103] : memref<1000x128xf32, #tpu.memory_space<hbm>> -> memref<128x128xf32, #tpu.memory_space<hbm>>
    tpu.wait_dma2 semaphore(%arg25 : memref<!tpu.dma_semaphore, #tpu.memory_space<semaphore_mem>>) src(%dma_wait3A_104 : memref<128x128xf32, #tpu.memory_space<hbm>>) dst(%arg21 : memref<128x128xf32, #tpu.memory_space<vmem>>)
    %add3A_105 = arith.constant 25472 : i32
    %add3A_106 = arith.addi %mul3A_4, %add3A_105 : i32
    %dma_start3A_107 = arith.constant 0 : i32
    %dma_start3A_108 = tpu.memref_slice %arg12[%add3A_106, %dma_start3A_107] : memref<819200x128xf32, #tpu.memory_space<hbm>> -> memref<128x128xf32, #tpu.memory_space<hbm>>
    %dma_start3A_109 = arith.constant 0 : i32
    %dma_start3A_110 = tpu.memref_slice %arg12[%add3A_106, %dma_start3A_109] : memref<819200x128xf32, #tpu.memory_space<hbm>> -> memref<128x128xf32, #tpu.memory_space<hbm>>
    tpu.enqueue_dma source(%arg21 : memref<128x128xf32, #tpu.memory_space<vmem>>) target(%dma_start3A_110 : memref<128x128xf32, #tpu.memory_space<hbm>>) target_semaphore(%arg29 : memref<!tpu.dma_semaphore, #tpu.memory_space<semaphore_mem>>)
    %dma_wait3A_111 = arith.constant 0 : i32
    %dma_wait3A_112 = tpu.memref_slice %arg11[%mul3A_4, %dma_wait3A_111] : memref<819200x128xf32, #tpu.memory_space<hbm>> -> memref<128x128xf32, #tpu.memory_space<hbm>>
    %dma_wait3A_113 = arith.constant 0 : i32
    %dma_wait3A_114 = tpu.memref_slice %arg11[%mul3A_4, %dma_wait3A_113] : memref<819200x128xf32, #tpu.memory_space<hbm>> -> memref<128x128xf32, #tpu.memory_space<hbm>>
    tpu.wait_dma2 semaphore(%arg26 : memref<!tpu.dma_semaphore, #tpu.memory_space<semaphore_mem>>) src(%arg18 : memref<128x128xf32, #tpu.memory_space<vmem>>) dst(%dma_wait3A_114 : memref<128x128xf32, #tpu.memory_space<hbm>>)
    %dma_wait3A_115 = arith.constant 0 : i32
    %dma_wait3A_116 = tpu.memref_slice %arg12[%mul3A_4, %dma_wait3A_115] : memref<819200x128xf32, #tpu.memory_space<hbm>> -> memref<128x128xf32, #tpu.memory_space<hbm>>
    %dma_wait3A_117 = arith.constant 0 : i32
    %dma_wait3A_118 = tpu.memref_slice %arg12[%mul3A_4, %dma_wait3A_117] : memref<819200x128xf32, #tpu.memory_space<hbm>> -> memref<128x128xf32, #tpu.memory_space<hbm>>
    tpu.wait_dma2 semaphore(%arg28 : memref<!tpu.dma_semaphore, #tpu.memory_space<semaphore_mem>>) src(%arg20 : memref<128x128xf32, #tpu.memory_space<vmem>>) dst(%dma_wait3A_118 : memref<128x128xf32, #tpu.memory_space<hbm>>)
    %dma_wait3A_119 = arith.constant 0 : i32
    %dma_wait3A_120 = tpu.memref_slice %arg11[%mul3A_4, %dma_wait3A_119] : memref<819200x128xf32, #tpu.memory_space<hbm>> -> memref<128x128xf32, #tpu.memory_space<hbm>>
    %dma_wait3A_121 = arith.constant 0 : i32
    %dma_wait3A_122 = tpu.memref_slice %arg11[%mul3A_4, %dma_wait3A_121] : memref<819200x128xf32, #tpu.memory_space<hbm>> -> memref<128x128xf32, #tpu.memory_space<hbm>>
    tpu.wait_dma2 semaphore(%arg27 : memref<!tpu.dma_semaphore, #tpu.memory_space<semaphore_mem>>) src(%arg19 : memref<128x128xf32, #tpu.memory_space<vmem>>) dst(%dma_wait3A_122 : memref<128x128xf32, #tpu.memory_space<hbm>>)
    %dma_wait3A_123 = arith.constant 0 : i32
    %dma_wait3A_124 = tpu.memref_slice %arg12[%mul3A_4, %dma_wait3A_123] : memref<819200x128xf32, #tpu.memory_space<hbm>> -> memref<128x128xf32, #tpu.memory_space<hbm>>
    %dma_wait3A_125 = arith.constant 0 : i32
    %dma_wait3A_126 = tpu.memref_slice %arg12[%mul3A_4, %dma_wait3A_125] : memref<819200x128xf32, #tpu.memory_space<hbm>> -> memref<128x128xf32, #tpu.memory_space<hbm>>
    tpu.wait_dma2 semaphore(%arg29 : memref<!tpu.dma_semaphore, #tpu.memory_space<semaphore_mem>>) src(%arg21 : memref<128x128xf32, #tpu.memory_space<vmem>>) dst(%dma_wait3A_126 : memref<128x128xf32, #tpu.memory_space<hbm>>)
    return
  }
}

</mosaic_0001>

<sc_bundles>
// kernel: kernel.3.cloned.1.call-start
scs
__scs_entry_jumppad:
0x0: {  	(pc) =	sbr.rel $0x88, $3  }
0x1: {  	(tag) =	ssettag $0x0;
	lr =	simm.s32 $0x1  }
0x2: {  	[smem:$0x3F99] =	sst lr;
	_ =	strace $0xD0000000  }
0x3: {  	_ = 	snop  }
0x4: {  	_ = 	snop  }
0x5: {  	_ = 	snop  }
0x6: {  	_ = 	snop  }
0x7: {  	_ = 	snop  }
__scs_overlays_trampoline_lowered:
0x8: {  	[smem:$0x3FA8] =	sst s0  }
0x9: {  	[smem:$0x3FA9] =	sst s1  }
0xa: {  	[smem:$0x3FAA] =	sst s2  }
0xb: {  	[smem:$0x3FAB] =	sst s3  }
0xc: {  	[smem:$0x3FAC] =	sst s4  }
0xd: {  	[smem:$0x3FAD] =	sst s5  }
0xe: {  	[smem:$0x3FAE] =	sst s6  }
0xf: {  	[smem:$0x3FAF] =	sst s7  }
0x10: {  	[smem:$0x3FB0] =	sst s8  }
0x11: {  	[smem:$0x3FB1] =	sst s9;
	s0 =	simm.s32 @!p0 $0x0  }
0x12: {  	s1 =	sld [smem:$0x3F97];
	s0 =	simm.s32 @p0 $0x1  }
0x13: {  	[smem:$0x3FB2] =	sst s0;
	s0 =	simm.s32 @!p1 $0x0  }
0x14: {  	s2 =	sld [smem:$0x3F96];
	s0 =	simm.s32 @p1 $0x1  }
0x15: {  	[smem:$0x3FB3] =	sst s0;
	s0 =	simm.s32 @!p2 $0x0  }
0x16: {  	s3 =	sld [smem:$0x3FDB];
	s0 =	simm.s32 @p2 $0x1  }
0x17: {  	s4 =	simm.s32 $0x1BF5;
	[smem:$0x3FB5] =	sst s0  }
0x18: {  	s0 =	sld [smem:$0x3F98];
	_ =	swait.ge [sflag:s4], $0x0  }
0x19: {  	s7 =	sld [smem:$0x3F99]  }
0x1a: {  	s8 =	sadd.s32 $0xFFFFE003, lr  }
0x1b: {  	s9 =	sadd.s32 $0xFFFFFEF7, lr;
	s5 =	simm.s32 $0xFFFFFFFF;
	p2 =	slt.u32 s8, $0xFFFFF086  }
0x1c: {  	p1 =	slt.u32 s9, $0xF7A;
	s5 =	simm.s32 @!p2 $0x0  }
0x1d: {  	s5 =	simm.s32 @p1 $0x1;
	p0 =	seq.s32 s7, s2  }
0x1e: {  	s7 =	smul.u32 @!p0 $0xF7A, s2;
	p2 =	seq.s32 @!p0 s5, $0x0  }
0x1f: {  	s9 =	smul.u32 $0xF7A, s1;
	s8 =	simm.s32 @!p0 $0x1BF5;
	p2 =	por !p2, p0  }
0x20: {  	[sflag:s8] =	ssyncset.s32 @!p0 $0xFFFFF086;
	s6 =	sadd.s32 @!p0 s3, s7;
	s7 =	simm.s32 @!p0 $0x108  }
0x21: {  	s3 =	sadd.s32 s3, s9;
	s6 =	sadd.s32 @!p0 $0x88, s6;
	s7 =	simm.s32 @p2 $0x1082  }
0x22: {  	[simem:s7], [sflag:s8] =	dma.local @!p0 [hbm:s6], $0xF7A  }
0x23: {  	s9 =	sor.u32 $0xD0000000, s2;
	s6 =	simm.s32 $0x108;
	_ =	swait.ge @!p0 [sflag:s8], $0x0  }
0x24: {  	s3 =	sadd.s32 $0x88, s3;
	s6 =	simm.s32 @!p1 $0x1082;
	[sflag:s4] =	ssyncset.s32 $0xFFFFF086  }
0x25: {  	[simem:s6], [sflag:s4] =	dma.local [hbm:s3], $0xF7A  }
0x26: {  	[smem:$0x3F99] =	sst s1;
	(tag) =	ssettag s2;
	_ =	strace s9  }
0x27: {  	s1 =	sld [smem:$0x3FA9]  }
0x28: {  	s2 =	sld [smem:$0x3FAA]  }
0x29: {  	s4 =	sld [smem:$0x3FAC]  }
0x2a: {  	p0 =	seq.s32 s5, $0x0;
	s5 =	sld [smem:$0x3FAD]  }
0x2b: {  	s6 =	sld [smem:$0x3FAE]  }
0x2c: {  	s7 =	sld [smem:$0x3FAF]  }
0x2d: {  	s3 =	simm.s32 $0x108;
	s8 =	sld [smem:$0x3FB0]  }
0x2e: {  	s3 =	simm.s32 @!p0 $0x1082;
	s9 =	sld [smem:$0x3FB1]  }
0x2f: {  	lr =	sadd.s32 s0, s3;
	s0 =	sld [smem:$0x3FA8]  }
0x30: {  	s3 =	sld [smem:$0x3FAB]  }
0x31: {  	[smem:$0x3FB4] =	sst s10  }
0x32: {  	s10 =	sld [smem:$0x3FB2];
	_ =	sdelay $0x3  }
0x33: {  	p0 =	seq.s32 s10, $0x1;
	s10 =	sld [smem:$0x3FB4];
	_ =	sdelay $0x3  }
0x34: {  	[smem:$0x3FB4] =	sst s10  }
0x35: {  	s10 =	sld [smem:$0x3FB3];
	_ =	sdelay $0x3  }
0x36: {  	p1 =	seq.s32 s10, $0x1;
	s10 =	sld [smem:$0x3FB4];
	_ =	sdelay $0x3  }
0x37: {  	[smem:$0x3FB4] =	sst s10  }
0x38: {  	s10 =	sld [smem:$0x3FB5]  }
0x39: {  	_ = 	snop;
	(pc) =	sbr.ind lr, $3  }
0x3a: {  	_ = 	snop  }
0x3b: {  	_ = 	snop  }
0x3c: {  	p2 =	seq.s32 s10, $0x1;
	s10 =	sld [smem:$0x3FB4]  }
0x3d: {  	_ =	shalt  }
0x3e: {  	_ =	shalt  }
0x3f: {  	_ =	shalt  }
0x40: {  	_ =	shalt  }
0x41: {  	_ =	shalt  }
0x42: {  	_ =	shalt  }
0x43: {  	_ =	shalt  }
0x44: {  	_ =	shalt  }
0x45: {  	_ =	shalt  }
0x46: {  	_ =	shalt  }
0x47: {  	_ =	shalt  }
0x48: {  	_ =	shalt  }
0x49: {  	_ =	shalt  }
0x4a: {  	_ =	shalt  }
0x4b: {  	_ =	shalt  }
0x4c: {  	_ =	shalt  }
0x4d: {  	_ =	shalt  }
0x4e: {  	_ =	shalt  }
0x4f: {  	_ =	shalt  }
0x50: {  	_ =	shalt  }
0x51: {  	_ =	shalt  }
0x52: {  	_ =	shalt  }
0x53: {  	_ =	shalt  }
0x54: {  	_ =	shalt  }
0x55: {  	_ =	shalt  }
0x56: {  	_ =	shalt  }
0x57: {  	_ =	shalt  }
0x58: {  	_ =	shalt  }
0x59: {  	_ =	shalt  }
0x5a: {  	_ =	shalt  }
0x5b: {  	_ =	shalt  }
0x5c: {  	_ =	shalt  }
0x5d: {  	_ =	shalt  }
0x5e: {  	_ =	shalt  }
0x5f: {  	_ =	shalt  }
0x60: {  	_ =	shalt  }
0x61: {  	_ =	shalt  }
0x62: {  	_ =	shalt  }
0x63: {  	_ =	shalt  }
0x64: {  	_ =	shalt  }
0x65: {  	_ =	shalt  }
0x66: {  	_ =	shalt  }
0x67: {  	_ =	shalt  }
0x68: {  	_ =	shalt  }
0x69: {  	_ =	shalt  }
0x6a: {  	_ =	shalt  }
0x6b: {  	_ =	shalt  }
0x6c: {  	_ =	shalt  }
0x6d: {  	_ =	shalt  }
0x6e: {  	_ =	shalt  }
0x6f: {  	_ =	shalt  }
0x70: {  	_ =	shalt  }
0x71: {  	_ =	shalt  }
0x72: {  	_ =	shalt  }
0x73: {  	_ =	shalt  }
0x74: {  	_ =	shalt  }
0x75: {  	_ =	shalt  }
0x76: {  	_ =	shalt  }
0x77: {  	_ =	shalt  }
0x78: {  	_ =	shalt  }
0x79: {  	_ =	shalt  }
0x7a: {  	_ =	shalt  }
0x7b: {  	_ =	shalt  }
0x7c: {  	_ =	shalt  }
0x7d: {  	_ =	shalt  }
0x7e: {  	_ =	shalt  }
0x7f: {  	_ =	shalt  }
0x80: {  	_ =	shalt  }
0x81: {  	_ =	shalt  }
0x82: {  	_ =	shalt  }
0x83: {  	_ =	shalt  }
0x84: {  	_ =	shalt  }
0x85: {  	_ =	shalt  }
0x86: {  	_ =	shalt  }
0x87: {  	_ =	shalt  }
.Lfunc_end0:
.L_simem_size_0:
called_computation.2_lowered:
.L_overlay_start_0:
0x88: {  	s2 =	sld [smem:$0x3FD9]  }
0x89: {  	s3 =	sld [smem:$0x3FFE];
	_ =	sdelay $0x1  }
0x8a: {  	s1 =	srdreg.scid  }
0x8b: {  	s0 =	sand.u32 $0x1, s1  }
0x8c: {  	s14 =	sshll.u32 s0, $0xA;
	s2 =	sadd.s32 s3, s2  }
0x8d: {  	s2 =	sadd.s32 s2, s14  }
0x8e: {  	[smem:$0x3FC0] =	sst s2  }
0x8f: {  	_ = 	snop  }
0x90: {  	s2 =	sld [smem:$0x3FD0]  }
0x91: {  	s15 =	sld [smem:$0x3FC9]  }
0x92: {  	s4 =	sld [smem:$0x3FC8]  }
0x93: {  	s6 =	simm.s32 $0xB;
	s7 =	simm.s32 $0x10;
	s5 =	sld [smem:$0x3FC7]  }
0x94: {  	[smem:s7], [sflag:s6] =	dma.local [hbm:s2], $0x1  }
0x95: {  	_ =	swait.eq [sflag:s6], $0x1  }
0x96: {  	[sflag:s6] =	ssyncset.done $0x0  }
0x97: {  	s16 =	sld [smem:$0x12];
	[sflag:s6] =	ssyncadd.s32 $0xFFFFFFFF  }
0x98: {  	s17 =	sld [smem:$0x14];
	(tm) =	ssettm $0x1  }
0x99: {  	s18 =	sld [smem:$0x3FFB];
	_ =	sdelay $0x3  }
0x9a: {  	_ =	strace s18  }
0x9b: {  	s7 =	sld [smem:$0x3FFC];
	_ =	sdelay $0x3  }
0x9c: {  	_ =	strace s7  }
0x9d: {  	s7 =	sld [smem:$0x3FFD];
	_ =	sdelay $0x3  }
0x9e: {  	_ =	strace s7  }
0x9f: {  	_ =	strace $0x8FFFFFFF  }
0xa0: {  	s19 =	sld [smem:$0x3FDB];
	_ =	sdelay $0x1  }
0xa1: {  	s8 =	simm.s32 $_scs_section_size  }
0xa2: {  	s9 =	simm.s32 $_size__tile_overlayer_lowered;
	s10 =	simm.s32 $_tile_overlayer_lowered  }
0xa3: {  	s22 =	simm.s32 $0x1BFF;
	s21 =	sshll.u32 s10, $0x1;
	s7 =	sadd.s32 s8, s19  }
0xa4: {  	s11 =	simm.s32 $0x0;
	s20 =	sshll.u32 s9, $0x1;
	s9 =	sadd.s32 s21, s7  }
0xa5: {  	[timem:s11], [sflag:s22] =	dma.local [hbm:s9], s20  }
0xa6: {  	_ =	swait.ge [sflag:s22], s20  }
0xa7: {  	s8 =	ssub.s32 $0x0, s20;
	[sflag:s22] =	ssyncset.done $0x0  }
0xa8: {  	[sflag:s22] =	ssyncadd.s32 s8;
	_ =	sdelay $0x1  }
0xa9: {  	s23 =	simm.s32 $0x1B8B  }
0xaa: {  	_ =	swait.ge [sflag:s23], $0x1  }
0xab: {  	[sflag:s23] =	ssyncset.done $0x0  }
0xac: {  	s25 =	simm.s32 $0x1B8E;
	s24 =	sld [smem:$0x3FFE];
	[sflag:s23] =	ssyncadd.s32 $0xFFFFFFFF  }
0xad: {  	s26 =	simm.s32 $execute0_lowered;
	[smem:$0x3FD2] =	sst s25  }
0xae: {  	s9 =	sshll.u32 s26, $0x1;
	_ =	strace $0x80000046;
	[dreg:$0x1] =	wrdreg $0xFFFFFFFF  }
0xaf: {  	s28 =	simm.s32 $_size_execute0_lowered;
	s7 =	sadd.s32 s7, s9;
	[dreg:$0x0] =	wrdreg $0x0  }
0xb0: {  	s9 =	sshll.u32 s28, $0x1;
	[dreg:$0x2] =	wrdreg s7  }
0xb1: {  	[dreg:$0x3] =	wrdreg s9  }
0xb2: {  	[dreg:$0x4] =	wrdreg $0xC0  }
0xb3: {  	_ =	task [dreg:s11], $0x5FFFF  }
0xb4: {  	[dreg:$0x1] =	wrdreg $0xFFFFFFFF  }
0xb5: {  	[dreg:$0x0] =	wrdreg $0x60  }
0xb6: {  	[dreg:$0x2] =	wrdreg s15  }
0xb7: {  	[dreg:$0x3] =	wrdreg s4  }
0xb8: {  	[dreg:$0x4] =	wrdreg s5  }
0xb9: {  	[dreg:$0x5] =	wrdreg s24  }
0xba: {  	[dreg:$0x6] =	wrdreg s16  }
0xbb: {  	[dreg:$0x7] =	wrdreg s17  }
0xbc: {  	[dreg:$0x8] =	wrdreg $0x9  }
0xbd: {  	_ =	task.clear_ibuf [dreg:s11], $0x9FFFF;
	_ =	strace $0x90000046  }
0xbe: {  	s29 =	simm.s32 $0x9;
	_ =	strace $0x80000048  }
0xbf: {  	_ =	swait.ge [sflag:s29], $0x1  }
0xc0: {  	[sflag:s29] =	ssyncadd.s32 $0xFFFFFFFF  }
0xc1: {  	_ =	strace $0x90000048  }
0xc2: {  	_ =	sfence  }
0xc3: {  	s30 =	sld [smem:$0x0];
	_ =	sdelay $0x2  }
0xc4: {  	s31 =	sshll.u32 s1, $0xD;
	s1 =	sshrl.u32 s1, $0x2  }
0xc5: {  	s3 =	sand.u32 $0x4000, s31;
	s1 =	sadd.s32 s1, s30  }
0xc6: {  	s0 =	sor.u32 s3, s0;
	s1 =	sshll.u32 s1, $0x11  }
0xc7: {  	s0 =	sor.u32 s1, s0  }
0xc8: {  	s0 =	sadd.s32 $0x8F2B, s0  }
0xc9: {  	[sflag:s0] =	ssyncadd.remote.s32 $0x1  }
0xca: {  	_ =	sfence.sel $0xFFFF  }
0xcb: {  	[dreg:$0x0] =	wrdreg $0xFFFFFFFF;
	(pc) =	sbr.abs _section_cstart, $3  }
0xcc: {  	[dreg:$0x1] =	wrdreg $0xFFFFFFFF  }
0xcd: {  	_ =	task.clear_ibuf [dreg:s11], $0x2FFFF;
	_ =	strace $0x9FFFFFFF  }
0xce: {  	(tm) =	ssettm $0x7FFFFFFF  }
0xcf: {  	_ =	shalt  }
tec
execute0_lowered:
.L_overlay_start_1:
0x0: {  	(tag) =	ssettag $0x1  }
0x1: {  	s0 =	rddreg [dreg:$0x0]  }
0x2: {  	s1 =	rddreg [dreg:$0x1]  }
0x3: {  	s2 =	rddreg [dreg:$0x2]  }
0x4: {  	s6 =	rddreg [dreg:$0x3]  }
0x5: {  	s3 =	srdreg.scid;
	s15 =	stileid.u32;
	s28 =	simm.s32 $0x6400  }
0x6: {  	s29 =	simm.s32 $0x14880;
	s30 =	simm.s32 $0x10880;
	s31 =	simm.s32 $0x4  }
0x7: {  	s7 =	sand.u32 $0x1, s3;
	s4 =	sshll.u32 s15, $0x1;
	s3 =	rddreg [dreg:$0x5]  }
0x8: {  	s10 =	sadd.s32 $0x63800, s6;
	s11 =	sadd.s32 $0x1EB8000, s6;
	s16 =	smul.u32 $0x640000, s15  }
0x9: {  	s8 =	sor.u32 s7, s4;
	s4 =	simm.s32 $0x0;
	s18 =	smul.u32 $0x320000, s7  }
0xa: {  	s13 =	ssub.s32 $0x2, s7;
	s5 =	smul.u32 $0x6400, s8;
	[smem:$0x7FF] =	sst s4  }
0xb: {  	s12 =	sshll.u32 s8, $0xB;
	s22 =	sshrl.u32 s13, $0x1;
	s14 =	sshll.u32 s8, $0x4  }
0xc: {  	s26 =	smul.u32 $0x320000, s8;
	_ =	strace $0x80000047;
	s0 =	sadd.s32 s0, s14  }
0xd: {  	s24 =	sadd.s32 s1, s14;
	s2 =	sadd.s32 s2, s14;
	[dreg:$0x8] =	wrdreg s0  }
0xe: {  	s21 =	sadd.s32 s18, s16;
	s5 =	sshrl.u32 s5, $0x3;
	[dreg:$0xa] =	wrdreg s24  }
0xf: {  	s9 =	sadd.s32 s5, s6;
	s5 =	sadd.s32 $0xF75C00, s6;
	s6 =	sadd.s32 s12, s6  }
0x10: {  	[dreg:$0xc] =	wrdreg s2;
	s0 =	sshrl.u32 s26, $0x3;
	s23 =	sadd.s32 $0x33800, s6  }
0x11: {  	s12 =	ssub.s32 s13, s22;
	s25 =	sadd.s32 $0x43800, s6;
	[dreg:$0x9] =	wrdreg s23  }
0x12: {  	s17 =	sadd.s32 $0x63000, s0;
	s8 =	sadd.s32 $0x53800, s6;
	[dreg:$0xb] =	wrdreg s25  }
0x13: {  	s0 =	sadd.s32 $0x63800, s0;
	s13 =	sadd.s32 $0x1800, s9;
	[dreg:$0xd] =	wrdreg s8  }
0x14: {  	s22 =	smul.u32 $0xC8000, s15;
	s14 =	sadd.s32 $0x1A800, s9;
	[dreg:$0xe] =	wrdreg s13  }
0x15: {  	s19 =	sadd.s32 s10, s17;
	s2 =	sadd.s32 s11, s17;
	[dreg:$0xf] =	wrdreg s14  }
0x16: {  	s20 =	sadd.s32 s10, s0;
	s17 =	sadd.s32 s11, s0;
	[dreg:$0x10] =	wrdreg s19  }
0x17: {  	s18 =	smax.u32 s12, $0x1;
	s0 =	sshrl.u32 s21, $0x3;
	[dreg:$0x11] =	wrdreg s2  }
0x18: {  	s6 =	simm.s32 $0x5;
	s9 =	simm.s32 $0x8;
	[dreg:$0x12] =	wrdreg s20  }
0x19: {  	s23 =	smul.u32 $0x64000, s7;
	s24 =	sadd.s32 s0, s11;
	s25 =	sadd.s32 s22, s10  }
0x1a: {  	s1 =	sadd.s32 s22, s11;
	s19 =	sadd.s32 s0, s10;
	s22 =	simm.s32 $0xC800  }
0x1b: {  	s0 =	simm.s32 $0x3;
	s2 =	simm.s32 $0x2;
	s7 =	simm.s32 $0x7  }
0x1c: {  	s8 =	simm.s32 $0x6;
	s10 =	simm.s32 $0x0;
	[dreg:$0x7] =	wrdreg s24  }
0x1d: {  	s24 =	simm.s32 $0x80;
	s26 =	sadd.s32 s23, s25;
	s1 =	sadd.s32 s23, s1  }
0x1e: {  	s23 =	simm.s32 $0x9;
	s25 =	simm.s32 $0xC880;
	s20 =	sadd.s32 $0x800, s26  }
0x1f: {  	s21 =	sadd.s32 $0x800, s1;
	s26 =	simm.s32 $0x1;
	s1 =	simm.s32 $0x18880  }
.LBB2_1:
0x20: {  	s11 =	rddreg [dreg:$0x8]  }
0x21: {  	[tilespmem:s22], [sflag:$0x9] =	stream.linear.gather [hbm4b:s11+s4], $0x80, $0x38;
	[tilespmem:$0x1C880] =	vst v63  }
0x22: {  	_ =	swait.ge [sflag:s23], $0x80  }
0x23: {  	[sflag:s23] =	ssyncset.done $0x0  }
0x24: {  	[sflag:s23] =	ssyncadd.s32 $0xFFFFFF80  }
0x25: {  	s16 =	rddreg [dreg:$0x4]  }
0x26: {  	[tilespmem:s25], [sflag:$0x1] =	stream.indirect.gather [hbm4b:s16+s24], $0x80, s22, s24, $0xb8;
	[tilespmem:$0x1C880] =	vst v63  }
0x27: {  	_ =	swait.ge [sflag:s26], $0x4000  }
0x28: {  	[sflag:s26] =	ssyncset.done $0x0  }
0x29: {  	s12 =	rddreg [dreg:$0x9];
	[sflag:s26] =	ssyncadd.s32 $0xFFFFC000  }
0x2a: {  	[hbm4b:s12+s4] =	stream.linear.scatter [tilespmem:s25], [sflag:$0x9], $0x4000, $0x38;
	[tilespmem:$0x1C880] =	vst v63  }
0x2b: {  	_ =	swait.ge [sflag:s23], $0x4000  }
0x2c: {  	[sflag:s23] =	ssyncset.done $0x0  }
0x2d: {  	s13 =	rddreg [dreg:$0xa];
	[sflag:s23] =	ssyncadd.s32 $0xFFFFC000  }
0x2e: {  	[tilespmem:s22], [sflag:$0x9] =	stream.linear.gather [hbm4b:s13+s4], $0x80, $0x38;
	[tilespmem:$0x1C880] =	vst v63  }
0x2f: {  	_ =	swait.ge [sflag:s23], $0x80  }
0x30: {  	[sflag:s23] =	ssyncset.done $0x0  }
0x31: {  	[sflag:s23] =	ssyncadd.s32 $0xFFFFFF80  }
0x32: {  	[tilespmem:s25], [sflag:$0x1] =	stream.indirect.gather [hbm4b:s5+s24], $0x80, s22, s24, $0xb8;
	[tilespmem:$0x1C880] =	vst v63  }
0x33: {  	_ =	swait.ge [sflag:s26], $0x4000  }
0x34: {  	[sflag:s26] =	ssyncset.done $0x0  }
0x35: {  	s14 =	rddreg [dreg:$0xb];
	[sflag:s26] =	ssyncadd.s32 $0xFFFFC000  }
0x36: {  	[hbm4b:s14+s4] =	stream.linear.scatter [tilespmem:s25], [sflag:$0x9], $0x4000, $0x38;
	[tilespmem:$0x1C880] =	vst v63  }
0x37: {  	_ =	swait.ge [sflag:s23], $0x4000  }
0x38: {  	[sflag:s23] =	ssyncset.done $0x0  }
0x39: {  	s15 =	rddreg [dreg:$0xc];
	[sflag:s23] =	ssyncadd.s32 $0xFFFFC000  }
0x3a: {  	[tilespmem:s22], [sflag:$0x9] =	stream.linear.gather [hbm4b:s15+s4], $0x80, $0x38;
	[tilespmem:$0x1C880] =	vst v63  }
0x3b: {  	_ =	swait.ge [sflag:s23], $0x80  }
0x3c: {  	[sflag:s23] =	ssyncset.done $0x0  }
0x3d: {  	[sflag:s23] =	ssyncadd.s32 $0xFFFFFF80  }
0x3e: {  	[tilespmem:s25], [sflag:$0x1] =	stream.indirect.gather [hbm4b:s3+s24], $0x80, s22, s24, $0xb8;
	[tilespmem:$0x1C880] =	vst v63  }
0x3f: {  	_ =	swait.ge [sflag:s26], $0x4000  }
0x40: {  	[sflag:s26] =	ssyncset.done $0x0  }
0x41: {  	s16 =	rddreg [dreg:$0xd];
	[sflag:s26] =	ssyncadd.s32 $0xFFFFC000  }
0x42: {  	[hbm4b:s16+s4] =	stream.linear.scatter [tilespmem:s25], [sflag:$0x9], $0x4000, $0x38;
	[tilespmem:$0x1C880] =	vst v63  }
0x43: {  	_ =	swait.ge [sflag:s23], $0x4000  }
0x44: {  	[sflag:s23] =	ssyncset.done $0x0  }
0x45: {  	s12 =	rddreg [dreg:$0xe];
	[sflag:s23] =	ssyncadd.s32 $0xFFFFC000  }
0x46: {  	[tilespmem:s4], [sflag:$0x9] =	stream.linear.gather [hbm4b:s12+s4], $0x6400, $0x38;
	[tilespmem:$0x1C880] =	vst v63  }
0x47: {  	_ =	swait.ge [sflag:s23], $0x6400  }
0x48: {  	[sflag:s23] =	ssyncset.done $0x0  }
0x49: {  	s13 =	rddreg [dreg:$0xf];
	[sflag:s23] =	ssyncadd.s32 $0xFFFF9C00  }
0x4a: {  	[tilespmem:s28], [sflag:$0x9] =	stream.linear.gather [hbm4b:s13+s4], $0x6400, $0x38;
	[tilespmem:$0x1C880] =	vst v63  }
0x4b: {  	_ =	swait.ge [sflag:s23], $0x6400  }
0x4c: {  	[sflag:s23] =	ssyncset.done $0x0  }
0x4d: {  	[sflag:s23] =	ssyncadd.s32 $0xFFFF9C00  }
0x4e: {  	[tilespmem:s25], [sflag:$0x1] =	stream.indirect.gather [hbm4b:s5+s24], $0x80, s4, s24, $0xb8;
	[tilespmem:$0x1C880] =	vst v63  }
0x4f: {  	_ = 	snop  }
0x50: {  	[tilespmem:s29], [sflag:$0x3] =	stream.indirect.gather [hbm4b:s3+s24], $0x80, s28, s24, $0xb8;
	[tilespmem:$0x1C880] =	vst v63  }
0x51: {  	_ = 	snop  }
0x52: {  	[tilespmem:s30], [sflag:$0x2] =	stream.indirect.gather [hbm4b:s5+s24], $0x80, s24, s24, $0xb8;
	[tilespmem:$0x1C880] =	vst v63  }
0x53: {  	s14 =	simm.s32 $0x6480  }
0x54: {  	[tilespmem:s1], [sflag:$0x4] =	stream.indirect.gather [hbm4b:s3+s24], $0x80, s14, s24, $0xb8;
	[tilespmem:$0x1C880] =	vst v63  }
0x55: {  	_ =	swait.ge [sflag:s26], $0x4000  }
0x56: {  	[sflag:s26] =	ssyncset.done $0x0  }
0x57: {  	s15 =	sadd.s32 $0x0, s19;
	[sflag:s26] =	ssyncadd.s32 $0xFFFFC000  }
0x58: {  	[hbm4b:s15+s4] =	stream.linear.scatter [tilespmem:s25], [sflag:$0x5], $0x4000, $0x38;
	[tilespmem:$0x1C880] =	vst v63  }
0x59: {  	_ =	swait.ge [sflag:s0], $0x4000  }
0x5a: {  	s16 =	rddreg [dreg:$0x7];
	[sflag:s0] =	ssyncset.done $0x0  }
0x5b: {  	[sflag:s0] =	ssyncadd.s32 $0xFFFFC000;
	s11 =	sadd.s32 $0x0, s16  }
0x5c: {  	[hbm4b:s11+s4] =	stream.linear.scatter [tilespmem:s29], [sflag:$0x7], $0x4000, $0x38;
	[tilespmem:$0x1C880] =	vst v63  }
0x5d: {  	_ =	swait.ge [sflag:s2], $0x4000  }
0x5e: {  	[sflag:s2] =	ssyncset.done $0x0  }
0x5f: {  	s12 =	sadd.s32 $0x0, s20;
	[sflag:s2] =	ssyncadd.s32 $0xFFFFC000  }
0x60: {  	[hbm4b:s12+s4] =	stream.linear.scatter [tilespmem:s30], [sflag:$0x6], $0x4000, $0x38;
	[tilespmem:$0x1C880] =	vst v63  }
0x61: {  	_ =	swait.ge [sflag:s31], $0x4000  }
0x62: {  	[sflag:s31] =	ssyncset.done $0x0  }
0x63: {  	s13 =	sadd.s32 $0x0, s21;
	[sflag:s31] =	ssyncadd.s32 $0xFFFFC000  }
0x64: {  	[hbm4b:s13+s4] =	stream.linear.scatter [tilespmem:s1], [sflag:$0x8], $0x4000, $0x38;
	[tilespmem:$0x1C880] =	vst v63  }
0x65: {  	_ =	swait.ge [sflag:s6], $0x4000  }
0x66: {  	[sflag:s6] =	ssyncset.done $0x0  }
0x67: {  	s14 =	simm.s32 $0x100;
	[sflag:s6] =	ssyncadd.s32 $0xFFFFC000  }
0x68: {  	[tilespmem:s25], [sflag:$0x1] =	stream.indirect.gather [hbm4b:s5+s24], $0x80, s14, s24, $0xb8;
	[tilespmem:$0x1C880] =	vst v63  }
0x69: {  	_ =	swait.ge [sflag:s7], $0x4000  }
0x6a: {  	[sflag:s7] =	ssyncset.done $0x0  }
0x6b: {  	s15 =	simm.s32 $0x6500;
	[sflag:s7] =	ssyncadd.s32 $0xFFFFC000  }
0x6c: {  	[tilespmem:s29], [sflag:$0x3] =	stream.indirect.gather [hbm4b:s3+s24], $0x80, s15, s24, $0xb8;
	[tilespmem:$0x1C880] =	vst v63  }
0x6d: {  	_ =	swait.ge [sflag:s8], $0x4000  }
0x6e: {  	[sflag:s8] =	ssyncset.done $0x0  }
0x6f: {  	s16 =	simm.s32 $0x180;
	[sflag:s8] =	ssyncadd.s32 $0xFFFFC000  }
0x70: {  	[tilespmem:s30], [sflag:$0x2] =	stream.indirect.gather [hbm4b:s5+s24], $0x80, s16, s24, $0xb8;
	[tilespmem:$0x1C880] =	vst v63  }
0x71: {  	_ =	swait.ge [sflag:s9], $0x4000  }
0x72: {  	s11 =	simm.s32 $0x1000;
	s12 =	simm.s32 $0x6600;
	[sflag:s9] =	ssyncset.done $0x0  }
0x73: {  	s13 =	simm.s32 $0x200;
	s14 =	simm.s32 $0x6580;
	[sflag:s9] =	ssyncadd.s32 $0xFFFFC000  }
.LBB2_2:
0x74: {  	[tilespmem:s1], [sflag:$0x4] =	stream.indirect.gather [hbm4b:s3+s24], $0x80, s14, s24, $0xb8;
	[tilespmem:$0x1C880] =	vst v63  }
0x75: {  	_ =	swait.ge [sflag:s26], $0x4000  }
0x76: {  	s15 =	smov.u32 s11;
	[sflag:s26] =	ssyncset.done $0x0  }
0x77: {  	s16 =	sadd.s32 s15, s19;
	[sflag:s26] =	ssyncadd.s32 $0xFFFFC000  }
0x78: {  	[hbm4b:s16+s4] =	stream.linear.scatter [tilespmem:s25], [sflag:$0x5], $0x4000, $0x38;
	[tilespmem:$0x1C880] =	vst v63  }
0x79: {  	_ =	swait.ge [sflag:s0], $0x4000  }
0x7a: {  	s16 =	rddreg [dreg:$0x7];
	[sflag:s0] =	ssyncset.done $0x0  }
0x7b: {  	[sflag:s0] =	ssyncadd.s32 $0xFFFFC000;
	s16 =	sadd.s32 s15, s16  }
0x7c: {  	[hbm4b:s16+s4] =	stream.linear.scatter [tilespmem:s29], [sflag:$0x7], $0x4000, $0x38;
	[tilespmem:$0x1C880] =	vst v63  }
0x7d: {  	_ =	swait.ge [sflag:s2], $0x4000  }
0x7e: {  	[sflag:s2] =	ssyncset.done $0x0  }
0x7f: {  	s16 =	sadd.s32 s15, s20;
	[sflag:s2] =	ssyncadd.s32 $0xFFFFC000  }
0x80: {  	[hbm4b:s16+s4] =	stream.linear.scatter [tilespmem:s30], [sflag:$0x6], $0x4000, $0x38;
	[tilespmem:$0x1C880] =	vst v63  }
0x81: {  	_ =	swait.ge [sflag:s31], $0x4000  }
0x82: {  	[sflag:s31] =	ssyncset.done $0x0  }
0x83: {  	s15 =	sadd.s32 s15, s21;
	[sflag:s31] =	ssyncadd.s32 $0xFFFFC000  }
0x84: {  	[hbm4b:s15+s4] =	stream.linear.scatter [tilespmem:s1], [sflag:$0x8], $0x4000, $0x38;
	[tilespmem:$0x1C880] =	vst v63  }
0x85: {  	_ =	swait.ge [sflag:s6], $0x4000  }
0x86: {  	[sflag:s6] =	ssyncset.done $0x0  }
0x87: {  	[sflag:s6] =	ssyncadd.s32 $0xFFFFC000  }
0x88: {  	[tilespmem:s25], [sflag:$0x1] =	stream.indirect.gather [hbm4b:s5+s24], $0x80, s13, s24, $0xb8;
	[tilespmem:$0x1C880] =	vst v63  }
0x89: {  	_ =	swait.ge [sflag:s7], $0x4000  }
0x8a: {  	[sflag:s7] =	ssyncset.done $0x0  }
0x8b: {  	[sflag:s7] =	ssyncadd.s32 $0xFFFFC000  }
0x8c: {  	[tilespmem:s29], [sflag:$0x3] =	stream.indirect.gather [hbm4b:s3+s24], $0x80, s12, s24, $0xb8;
	[tilespmem:$0x1C880] =	vst v63  }
0x8d: {  	_ =	swait.ge [sflag:s8], $0x4000  }
0x8e: {  	p0 =	sne.s32 s11, $0x62000;
	[sflag:s8] =	ssyncset.done $0x0  }
.Ltmp0:
0x8f: {  	s16 =	sadd.s32 $0x80, s13;
	[sflag:s8] =	ssyncadd.s32 $0xFFFFC000;
	(pc) =	sbr.rel @p0 .LBB2_2-.Ltmp0, $4  }
0x90: {  	[tilespmem:s30], [sflag:$0x2] =	stream.indirect.gather [hbm4b:s5+s24], $0x80, s16, s24, $0xb8;
	[tilespmem:$0x1C880] =	vst v63  }
0x91: {  	s14 =	smov.u32 s12;
	_ =	swait.ge [sflag:s9], $0x4000  }
0x92: {  	s11 =	sadd.s32 $0x1000, s11;
	s14 =	sadd.s32 $0x80, s14;
	[sflag:s9] =	ssyncset.done $0x0  }
0x93: {  	s13 =	sadd.s32 $0x100, s13;
	s12 =	sadd.s32 $0x100, s12;
	[sflag:s9] =	ssyncadd.s32 $0xFFFFC000  }
0x94: {  	[tilespmem:s1], [sflag:$0x4] =	stream.indirect.gather [hbm4b:s3+s24], $0x80, s14, s24, $0xb8;
	[tilespmem:$0x1C880] =	vst v63  }
0x95: {  	_ =	swait.ge [sflag:s26], $0x4000  }
0x96: {  	[sflag:s26] =	ssyncset.done $0x0  }
0x97: {  	s11 =	rddreg [dreg:$0x10];
	[sflag:s26] =	ssyncadd.s32 $0xFFFFC000  }
0x98: {  	[hbm4b:s11+s4] =	stream.linear.scatter [tilespmem:s25], [sflag:$0x5], $0x4000, $0x38;
	[tilespmem:$0x1C880] =	vst v63  }
0x99: {  	_ =	swait.ge [sflag:s0], $0x4000  }
0x9a: {  	[sflag:s0] =	ssyncset.done $0x0  }
0x9b: {  	s15 =	rddreg [dreg:$0x11];
	[sflag:s0] =	ssyncadd.s32 $0xFFFFC000  }
0x9c: {  	[hbm4b:s15+s4] =	stream.linear.scatter [tilespmem:s29], [sflag:$0x7], $0x4000, $0x38;
	[tilespmem:$0x1C880] =	vst v63  }
0x9d: {  	_ =	swait.ge [sflag:s2], $0x4000  }
0x9e: {  	[sflag:s2] =	ssyncset.done $0x0  }
0x9f: {  	s16 =	rddreg [dreg:$0x12];
	[sflag:s2] =	ssyncadd.s32 $0xFFFFC000  }
0xa0: {  	[hbm4b:s16+s4] =	stream.linear.scatter [tilespmem:s30], [sflag:$0x6], $0x4000, $0x38;
	[tilespmem:$0x1C880] =	vst v63  }
0xa1: {  	_ =	swait.ge [sflag:s31], $0x4000  }
0xa2: {  	[sflag:s31] =	ssyncset.done $0x0  }
0xa3: {  	[sflag:s31] =	ssyncadd.s32 $0xFFFFC000  }
0xa4: {  	[hbm4b:s17+s4] =	stream.linear.scatter [tilespmem:s1], [sflag:$0x8], $0x4000, $0x38;
	[tilespmem:$0x1C880] =	vst v63  }
0xa5: {  	_ =	swait.ge [sflag:s6], $0x4000  }
0xa6: {  	[sflag:s6] =	ssyncset.done $0x0  }
0xa7: {  	[sflag:s6] =	ssyncadd.s32 $0xFFFFC000  }
0xa8: {  	_ =	swait.ge [sflag:s7], $0x4000  }
0xa9: {  	[sflag:s7] =	ssyncset.done $0x0  }
0xaa: {  	s10 =	sadd.s32 $0x1, s10;
	[sflag:s7] =	ssyncadd.s32 $0xFFFFC000  }
0xab: {  	p0 =	sne.s32 s10, s18;
	_ =	swait.ge [sflag:s8], $0x4000  }
.Ltmp1:
0xac: {  	[sflag:s8] =	ssyncset.done $0x0;
	(pc) =	sbr.rel @p0 .LBB2_1-.Ltmp1, $4  }
0xad: {  	[sflag:s8] =	ssyncadd.s32 $0xFFFFC000  }
0xae: {  	_ =	swait.ge [sflag:s9], $0x4000  }
0xaf: {  	[sflag:s9] =	ssyncset.done $0x0  }
0xb0: {  	[sflag:s9] =	ssyncadd.s32 $0xFFFFC000  }
0xb1: {  	_ =	sfence.sel $0x180000  }
0xb2: {  	[bflag:$0x0] =	sbarrier.arrive $0xFFFF  }
0xb3: {  	_ =	strace $0x90000047  }
0xb4: {  	s0 =	stileid.u32;
	[bflag:$0x2] =	sbarrier.arrive $0xFFFF  }
0xb5: {  	p0 =	sne.s32 s0, $0x0;
	s0 =	rddreg [dreg:$0x6]  }
0xb6: {  	s0 =	sadd.s32 @!p0 $0x100000, s0  }
0xb7: {  	[sflag:s0] =	ssyncadd.tile.s32 @!p0 $0x1;
	_ =	shalt  }
.Lfunc_end2:
_tile_overlayer_lowered:
.L_overlay_start_2:
0xb8: {  	(tag) =	ssettag $0x2  }
0xb9: {  	s0 =	rddreg [dreg:$0x0];
	s2 =	stileid.u32  }
0xba: {  	s1 =	rddreg [dreg:$0x1];
	p0 =	sne.s32 s2, $0x0  }
0xbb: {  	s3 =	rddreg [dreg:$0x2];
	[bflag:$0x3] =	sbarrier.arrive $0xFFFF;
	s2 =	simm.s32 @!p0 $0x1C09  }
0xbc: {  	[timem:s3], [sflag:s2] =	dma.local @!p0 [hbm:s0], s1  }
0xbd: {  	s0 =	simm.s32 @!p0 $0x9  }
0xbe: {  	_ =	swait.ge @!p0 [sflag:s0], s1  }
0xbf: {  	s1 =	ssub.s32 @!p0 $0x0, s1;
	[sflag:s0] =	ssyncset.done @!p0 $0x0  }
0xc0: {  	[sflag:s0] =	ssyncadd.s32 @!p0 s1  }
0xc1: {  	[bflag:$0x3] =	sbarrier.arrive $0xFFFF  }
0xc2: {  	_ =	shalt  }

// kernel: sparse-core-data-format-call.1.cloned.1.call-start
scs
called_computation.1_lowered:
.L_overlay_start_0:
0x0: {  	s2 =	sld [smem:$0x3FD9]  }
0x1: {  	s3 =	sld [smem:$0x3FFE];
	_ =	sdelay $0x1  }
0x2: {  	s1 =	srdreg.scid  }
0x3: {  	s0 =	sand.u32 $0x1, s1  }
0x4: {  	s15 =	sshll.u32 s0, $0xA;
	s2 =	sadd.s32 s3, s2  }
0x5: {  	s2 =	sadd.s32 s2, s15  }
0x6: {  	[smem:$0x3FC0] =	sst s2  }
0x7: {  	_ = 	snop  }
0x8: {  	s2 =	sld [smem:$0x3FD0];
	_ =	sdelay $0x2  }
0x9: {  	s16 =	simm.s32 $0xB;
	s4 =	simm.s32 $0x10  }
0xa: {  	[smem:s4], [sflag:s16] =	dma.local [hbm:s2], $0x1  }
0xb: {  	_ =	swait.eq [sflag:s16], $0x1  }
0xc: {  	[sflag:s16] =	ssyncset.done $0x0  }
0xd: {  	[sflag:s16] =	ssyncadd.s32 $0xFFFFFFFF  }
0xe: {  	s17 =	sld [smem:$0x11];
	(tm) =	ssettm $0x1  }
0xf: {  	s18 =	sld [smem:$0x3FFB];
	_ =	sdelay $0x3  }
0x10: {  	_ =	strace s18  }
0x11: {  	s3 =	sld [smem:$0x3FFC];
	_ =	sdelay $0x3  }
0x12: {  	_ =	strace s3  }
0x13: {  	s3 =	sld [smem:$0x3FFD];
	_ =	sdelay $0x3  }
0x14: {  	_ =	strace s3  }
0x15: {  	_ =	strace $0x8FFFFFFF  }
0x16: {  	s19 =	sld [smem:$0x3FDB];
	_ =	sdelay $0x1  }
0x17: {  	s20 =	simm.s32 $_scs_section_size  }
0x18: {  	s5 =	simm.s32 $_size__tile_overlayer_lowered;
	s6 =	simm.s32 $_tile_overlayer_lowered  }
0x19: {  	s23 =	simm.s32 $0x1BFF;
	s22 =	sshll.u32 s6, $0x1;
	s3 =	sadd.s32 s20, s19  }
0x1a: {  	s7 =	simm.s32 $0x0;
	s21 =	sshll.u32 s5, $0x1;
	s5 =	sadd.s32 s22, s3  }
0x1b: {  	[timem:s7], [sflag:s23] =	dma.local [hbm:s5], s21  }
0x1c: {  	_ =	swait.ge [sflag:s23], s21  }
0x1d: {  	s4 =	ssub.s32 $0x0, s21;
	[sflag:s23] =	ssyncset.done $0x0  }
0x1e: {  	[sflag:s23] =	ssyncadd.s32 s4;
	_ =	sdelay $0x1  }
0x1f: {  	s24 =	simm.s32 $0x1B8B  }
0x20: {  	_ =	swait.ge [sflag:s24], $0x1  }
0x21: {  	[sflag:s24] =	ssyncset.done $0x0  }
0x22: {  	s26 =	simm.s32 $0x1B8E;
	s25 =	sld [smem:$0x3FFE];
	[sflag:s24] =	ssyncadd.s32 $0xFFFFFFFF  }
0x23: {  	s27 =	simm.s32 $execute0_lowered;
	[smem:$0x3FD2] =	sst s26  }
0x24: {  	s5 =	sshll.u32 s27, $0x1;
	_ =	strace $0x80000049;
	[dreg:$0x1] =	wrdreg $0xFFFFFFFF  }
0x25: {  	s28 =	simm.s32 $_size_execute0_lowered;
	s3 =	sadd.s32 s3, s5;
	[dreg:$0x0] =	wrdreg $0x0  }
0x26: {  	s5 =	sshll.u32 s28, $0x1;
	[dreg:$0x2] =	wrdreg s3  }
0x27: {  	[dreg:$0x3] =	wrdreg s5  }
0x28: {  	[dreg:$0x4] =	wrdreg $0xC0  }
0x29: {  	_ =	task [dreg:s7], $0x5FFFF  }
0x2a: {  	[dreg:$0x1] =	wrdreg $0xFFFFFFFF  }
0x2b: {  	[dreg:$0x0] =	wrdreg $0x60  }
0x2c: {  	[dreg:$0x2] =	wrdreg s25  }
0x2d: {  	[dreg:$0x3] =	wrdreg s17  }
0x2e: {  	[dreg:$0x4] =	wrdreg $0xA  }
0x2f: {  	_ =	task.clear_ibuf [dreg:s7], $0x5FFFF;
	_ =	strace $0x90000049  }
0x30: {  	s29 =	simm.s32 $0xA;
	_ =	strace $0x8000004B  }
0x31: {  	_ =	swait.ge [sflag:s29], $0x1  }
0x32: {  	[sflag:s29] =	ssyncadd.s32 $0xFFFFFFFF  }
0x33: {  	_ =	strace $0x9000004B  }
0x34: {  	_ =	sfence  }
0x35: {  	s30 =	sld [smem:$0x0];
	_ =	sdelay $0x2  }
0x36: {  	s31 =	sshll.u32 s1, $0xD;
	s1 =	sshrl.u32 s1, $0x2  }
0x37: {  	s3 =	sand.u32 $0x4000, s31;
	s1 =	sadd.s32 s1, s30  }
0x38: {  	s0 =	sor.u32 s3, s0;
	s1 =	sshll.u32 s1, $0x11  }
0x39: {  	s0 =	sor.u32 s1, s0  }
0x3a: {  	s0 =	sadd.s32 $0x8F2B, s0  }
0x3b: {  	[sflag:s0] =	ssyncadd.remote.s32 $0x1  }
0x3c: {  	_ =	sfence.sel $0xFFFF  }
0x3d: {  	[dreg:$0x0] =	wrdreg $0xFFFFFFFF;
	(pc) =	sbr.abs _section_cstart, $3  }
0x3e: {  	[dreg:$0x1] =	wrdreg $0xFFFFFFFF  }
0x3f: {  	_ =	task.clear_ibuf [dreg:s7], $0x2FFFF;
	_ =	strace $0x9FFFFFFF  }
0x40: {  	(tm) =	ssettm $0x7FFFFFFF  }
0x41: {  	_ =	shalt  }
tec
execute0_lowered:
.L_overlay_start_1:
0x0: {  	(tag) =	ssettag $0x1  }
0x1: {  	s0 =	srdreg.scid  }
0x2: {  	s1 =	sshll.u32 s0, $0x4  }
0x3: {  	s0 =	stileid.u32;
	s1 =	sand.u32 $0x10, s1  }
0x4: {  	s1 =	sor.u32 s0, s1  }
0x5: {  	s6 =	rddreg [dreg:$0x0];
	s4 =	simm.s32 $0x1;
	s2 =	sshll.u32 s1, $0x7  }
0x6: {  	s7 =	simm.s32 $0x2;
	s12 =	simm.s32 $0x0;
	s1 =	ssub.s32 $0x1000, s2  }
0x7: {  	s8 =	simm.s32 $0x8000;
	s13 =	simm.s32 $0x0;
	s3 =	sand.u32 $0xF80, s1  }
0x8: {  	s9 =	simm.s32 $0x0;
	s5 =	sshrl.u32 s1, $0xC;
	p0 =	sne.s32 s3, $0x0  }
.Ltmp0:
0x9: {  	s1 =	rddreg [dreg:$0x2];
	s4 =	simm.s32 @!p0 $0x0;
	(pc) =	sbr.rel .LBB1_1-.Ltmp0, $4  }
0xa: {  	s11 =	simm.s32 $0x0;
	s3 =	rddreg [dreg:$0x1];
	s5 =	sadd.s32 s4, s5  }
0xb: {  	_ =	strace $0x8000004A;
	s4 =	simm.s32 $0x1;
	s5 =	smul.u32 $0xC8, s5  }
0xc: {  	s6 =	sadd.s32 $0x63800, s6;
	s10 =	smov.u32 s2;
	[sflag:s4] =	ssyncpa.u1 $0x0  }
0xd: {  	p0 =	por $0x0, $0x0;
	[sflag:s7] =	ssyncpa.u1 $0x0;
	s7 =	sor.u32 $0x1, s5  }
.LBB1_4:
0xe: {  	s16 =	sshll.u32 s13, $0x3;
	s17 =	sand.u32 $0x78, s13  }
0xf: {  	s30 =	sand.u32 $0x7E00, s13;
	s12 =	sshll.u32 s12, $0xF;
	s16 =	sand.u32 $0xC00, s16  }
0x10: {  	[tilespmem:s15+$0x810 ss:$0x81] =	vst.msk $0xffff, v2;
	s31 =	sand.u32 $0x7, s13;
	s16 =	sor.u32 s17, s16;
	s17 =	sadd.s32 s3, s30  }
0x11: {  	[tilespmem:s15+$0x1020 ss:$0x81] =	vst.msk $0xffff, v0;
	s13 =	sshll.u32 s31, $0x12;
	s12 =	sadd.s32 s12, s17;
	s16 =	sshrl.u32 s16, $0x3  }
0x12: {  	[tilespmem:s15+$0x0 ss:$0x81] =	vst.msk $0xffff, v1;
	s13 =	sor.u32 $0x400, s13;
	s12 =	sadd.s32 s16, s12  }
0x13: {  	[hbm4b:s12+s13] =	stream.strided.scatter [tilespmem:s14], [sflag:$0x2], $0x2000, s8, s13, $0x20;
	[tilespmem:$0x8080] =	vst v63  }
.LBB1_5:
0x14: {  	s14 =	sadd.s32 $0x1, s9  }
0x15: {  	s12 =	sadd.s32 $0x1000, s10;
	s16 =	smov.u32 s10;
	p2 =	sgt.s32 s14, $0xC7  }
0x16: {  	s16 =	smov.u32 @p2 s12  }
0x17: {  	s14 =	simm.s32 @p2 $0x0;
	p2 =	sgt.s32 s16, $0xFFF  }
0x18: {  	s16 =	smov.u32 @p2 s2;
	p2 =	sne.s32 s11, s7  }
.Ltmp1:
0x19: {  	p1 =	slt.u32 s11, $0x2;
	(pc) =	sbr.rel @!p2 .LBB1_6-.Ltmp1, $4  }
0x1a: {  	s15 =	simm.s32 @!p1 $0x2  }
0x1b: {  	s13 =	smov.u32 s10;
	p0 =	por !p0, !p0;
	_ =	swait.ge @!p1 [sflag:s15], $0x2000  }
0x1c: {  	s12 =	smov.u32 s9;
	[sflag:s15] =	ssyncset.done @!p1 $0x0;
	s9 =	smov.u32 s14  }
0x1d: {  	s11 =	sadd.s32 $0x1, s11;
	[sflag:s15] =	ssyncadd.s32 @!p1 $0xFFFFE000;
	s10 =	smov.u32 s16  }
.LBB1_1:
0x1e: {  	p1 =	sge.u32 s11, s5  }
0x1f: {  	s14 =	sand.u32 @!p1 $0x1FFFFFF, s9  }
0x20: {  	s15 =	smulhi.u32 @!p1 $0x147AE15, s14;
	_ =	sdelay $0x1  }
0x21: {  	s15 =	smul.u32 @!p1 $0xC8, s15  }
0x22: {  	s16 =	sxor.u32 @!p1 $0xFFFFFFFF, s11;
	s17 =	smul.u32 @!p1 $0xC80, s10  }
0x23: {  	s31 =	sadd.s32 $0xFFFFFFFF, s11;
	s16 =	sshll.u32 @!p1 s16, $0xD;
	s14 =	ssub.s32 @!p1 s14, s15  }
0x24: {  	s15 =	sand.u32 @!p1 $0x2000, s16;
	s16 =	sadd.s32 @!p1 s6, s17;
	s14 =	sshll.u32 @!p1 s14, $0x4  }
0x25: {  	s17 =	simm.s32 @!p1 $0x6400;
	s14 =	sadd.s32 @!p1 s14, s16;
	s16 =	simm.s32 @!p1 $0x40  }
0x26: {  	[tilespmem:s15], [sflag:$0x1] =	stream.strided.gather @!p1 [hbm4b:s14+s16], $0x2000, s17, s16, $0x38;
	[tilespmem:$0x8080] =	vst v63  }
0x27: {  	p1 =	sge.u32 s31, s5  }
.Ltmp2:
0x28: {  	_ = 	snop;
	(pc) =	sbr.rel @p1 .LBB1_5-.Ltmp2, $1  }
0x29: {  	_ =	sdelay $0x3  }
0x2a: {  	s14 =	simm.s32 $0x1  }
0x2b: {  	_ =	swait.ge [sflag:s4], $0x2000;
	s14 =	simm.s32 @!p0 $0x0  }
0x2c: {  	[sflag:s4] =	ssyncset.done $0x0;
	s15 =	sshll.u32 s14, $0xD  }
0x2d: {  	[sflag:s4] =	ssyncadd.s32 $0xFFFFE000;
	s18 =	sor.u32 $0x20, s15  }
0x2e: {  	s14 =	smul.u32 $0x8100, s14;
	v3 =	vld [tilespmem:s18+$0x10]  }
0x2f: {  	s30 =	sand.u32 $0x1, s11;
	v2 =	vld [tilespmem:s18+$0xFFFFFFF0]  }
0x30: {  	s15 =	smul.u32 $0x8100, s30;
	s14 =	sshrl.u32 s14, $0x2;
	v0 =	vld [tilespmem:s18+$0x0]  }
0x31: {  	v1 =	vld [tilespmem:s18+$0xFFFFFFE0];
	s16 =	sor.u32 $0x4000, s14  }
0x32: {  	s31 =	sshrl.u32 s15, $0x2;
	s15 =	sadd.s32 $0x0, s16  }
0x33: {  	s17 =	simm.s32 $0x4;
	s18 =	sadd.s32 $0x40, s18;
	s14 =	sor.u32 $0x4000, s31;
	[tilespmem:s15+$0x1830 ss:$0x81] =	vst.msk $0xffff, v3  }
.LBB1_3:
0x34: {  	v3 =	vld [tilespmem:s18+$0x10];
	p1 =	sne.s32 s17, $0x1FC;
	[tilespmem:s15+$0x810 ss:$0x81] =	vst.msk $0xffff, v2;
	s19 =	smov.u32 s17;
	s17 =	sadd.s32 $0x4, s17  }
.Ltmp3:
0x35: {  	v2 =	vld [tilespmem:s18+$0xFFFFFFF0];
	[tilespmem:s15+$0x1020 ss:$0x81] =	vst.msk $0xffff, v0;
	(pc) =	sbr.rel @p1 .LBB1_3-.Ltmp3, $4  }
0x36: {  	v0 =	vld [tilespmem:s18+$0x0];
	[tilespmem:s15+$0x0 ss:$0x81] =	vst.msk $0xffff, v1  }
0x37: {  	s15 =	sshra.s32 s19, $0x2;
	v1 =	vld [tilespmem:s18+$0xFFFFFFE0]  }
0x38: {  	s15 =	sadd.s32 s15, s16  }
0x39: {  	s18 =	sadd.s32 $0x40, s18;
	[tilespmem:s15+$0x1830 ss:$0x81] =	vst.msk $0xffff, v3  }
.Ltmp4:
0x3a: {  	_ = 	snop;
	(pc) =	sbr.rel .LBB1_4-.Ltmp4, $1  }
0x3b: {  	_ =	sdelay $0x3  }
.LBB1_6:
0x3c: {  	_ =	sfence.sel $0x180000  }
0x3d: {  	s2 =	simm.s32 $0x1;
	[bflag:$0x0] =	sbarrier.arrive $0xFFFF  }
0x3e: {  	s31 =	simm.s32 $0x2;
	[sflag:s2] =	ssyncpa.u1 $0x1  }
0x3f: {  	[sflag:s31] =	ssyncpa.u1 $0x1  }
0x40: {  	p0 =	sne.s32 s0, $0x0;
	_ =	strace $0x9000004A  }
0x41: {  	s0 =	sadd.s32 @!p0 $0x100000, s1;
	[bflag:$0x2] =	sbarrier.arrive $0xFFFF  }
0x42: {  	[sflag:s0] =	ssyncadd.tile.s32 @!p0 $0x1;
	_ =	shalt  }
.Lfunc_end1:
_tile_overlayer_lowered:
.L_overlay_start_2:
0x43: {  	(tag) =	ssettag $0x2  }
0x44: {  	s0 =	rddreg [dreg:$0x0];
	s2 =	stileid.u32  }
0x45: {  	s1 =	rddreg [dreg:$0x1];
	p0 =	sne.s32 s2, $0x0  }
0x46: {  	s3 =	rddreg [dreg:$0x2];
	[bflag:$0x3] =	sbarrier.arrive $0xFFFF;
	s2 =	simm.s32 @!p0 $0x1C01  }
0x47: {  	[timem:s3], [sflag:s2] =	dma.local @!p0 [hbm:s0], s1  }
0x48: {  	s0 =	simm.s32 @!p0 $0x1  }
0x49: {  	_ =	swait.ge @!p0 [sflag:s0], s1  }
0x4a: {  	s1 =	ssub.s32 @!p0 $0x0, s1;
	[sflag:s0] =	ssyncset.done @!p0 $0x0  }
0x4b: {  	[sflag:s0] =	ssyncadd.s32 @!p0 s1  }
0x4c: {  	[bflag:$0x3] =	sbarrier.arrive $0xFFFF  }
0x4d: {  	_ =	shalt  }

// kernel: sparse-core-data-format-call.cloned.1.call-start
scs
called_computation_lowered:
.L_overlay_start_0:
0x0: {  	s2 =	sld [smem:$0x3FD9]  }
0x1: {  	s3 =	sld [smem:$0x3FFE];
	_ =	sdelay $0x1  }
0x2: {  	s1 =	srdreg.scid  }
0x3: {  	s0 =	sand.u32 $0x1, s1  }
0x4: {  	s16 =	sshll.u32 s0, $0xA;
	s2 =	sadd.s32 s3, s2  }
0x5: {  	s2 =	sadd.s32 s2, s16  }
0x6: {  	[smem:$0x3FC0] =	sst s2  }
0x7: {  	_ = 	snop  }
0x8: {  	s2 =	sld [smem:$0x3FD0];
	_ =	sdelay $0x2  }
0x9: {  	s17 =	simm.s32 $0xB;
	s4 =	simm.s32 $0x10  }
0xa: {  	[smem:s4], [sflag:s17] =	dma.local [hbm:s2], $0x1  }
0xb: {  	_ =	swait.eq [sflag:s17], $0x1  }
0xc: {  	[sflag:s17] =	ssyncset.done $0x0  }
0xd: {  	[sflag:s17] =	ssyncadd.s32 $0xFFFFFFFF  }
0xe: {  	s18 =	sld [smem:$0x12];
	(tm) =	ssettm $0x1  }
0xf: {  	s19 =	sld [smem:$0x3FFB];
	_ =	sdelay $0x3  }
0x10: {  	_ =	strace s19  }
0x11: {  	s2 =	sld [smem:$0x3FFC];
	_ =	sdelay $0x3  }
0x12: {  	_ =	strace s2  }
0x13: {  	s2 =	sld [smem:$0x3FFD];
	_ =	sdelay $0x3  }
0x14: {  	_ =	strace s2  }
0x15: {  	_ =	strace $0x8FFFFFFF  }
0x16: {  	s20 =	sld [smem:$0x3FDB];
	_ =	sdelay $0x1  }
0x17: {  	s21 =	simm.s32 $_scs_section_size  }
0x18: {  	s5 =	simm.s32 $_size__tile_overlayer_lowered;
	s6 =	simm.s32 $_tile_overlayer_lowered  }
0x19: {  	s7 =	simm.s32 $0x1BFF;
	s22 =	sshll.u32 s6, $0x1;
	s4 =	sadd.s32 s21, s20  }
0x1a: {  	s23 =	simm.s32 $0x0;
	s5 =	sshll.u32 s5, $0x1;
	s6 =	sadd.s32 s22, s4  }
0x1b: {  	[timem:s23], [sflag:s7] =	dma.local [hbm:s6], s5  }
0x1c: {  	_ =	swait.ge [sflag:s7], s5  }
0x1d: {  	s5 =	ssub.s32 $0x0, s5;
	[sflag:s7] =	ssyncset.done $0x0  }
0x1e: {  	[sflag:s7] =	ssyncadd.s32 s5;
	_ =	sdelay $0x1  }
0x1f: {  	s24 =	simm.s32 $0x1B8B  }
0x20: {  	_ =	swait.ge [sflag:s24], $0x1  }
0x21: {  	[sflag:s24] =	ssyncset.done $0x0  }
0x22: {  	[sflag:s24] =	ssyncadd.s32 $0xFFFFFFFF  }
0x23: {  	s5 =	sld [smem:$0x0]  }
0x24: {  	s6 =	sand.u32 $0xFFFFFFFE, s1  }
0x25: {  	p0 =	sne.s32 s1, s6  }
0x26: {  	s6 =	sshll.u32 @p0 s6, $0xE  }
0x27: {  	s6 =	sadd.s32 @p0 $0x11B8D, s6;
	s7 =	sshll.u32 @p0 s5, $0x11  }
0x28: {  	s6 =	sor.u32 @p0 s7, s6  }
0x29: {  	[sflag:s6] =	ssyncadd.remote.s32 @p0 $0x1;
	_ =	sdelay $0x1  }
0x2a: {  	s6 =	simm.s32 @p0 $0x1B8D  }
0x2b: {  	_ =	swait.eq @p0 [sflag:s6], $0x1  }
0x2c: {  	[sflag:s6] =	ssyncadd.s32 @p0 $0xFFFFFFFF  }
0x2d: {  	s7 =	sshll.u32 @!p0 s1, $0xE  }
0x2e: {  	s7 =	sor.u32 @!p0 $0x4000, s7;
	s6 =	simm.s32 @!p0 $0x1B8D  }
0x2f: {  	s5 =	sshll.u32 @!p0 s5, $0x11;
	s7 =	sadd.s32 @!p0 $0x11B8D, s7;
	_ =	swait.eq @!p0 [sflag:s6], $0x1  }
0x30: {  	s5 =	sor.u32 @!p0 s5, s7;
	[sflag:s6] =	ssyncadd.s32 @!p0 $0xFFFFFFFF  }
0x31: {  	s26 =	simm.s32 $0x1B8E;
	s25 =	sld [smem:$0x3FFE];
	[sflag:s5] =	ssyncadd.remote.s32 @!p0 $0x1  }
0x32: {  	s27 =	simm.s32 $execute0_lowered;
	[smem:$0x3FD2] =	sst s26  }
0x33: {  	s6 =	sshll.u32 s27, $0x1;
	_ =	strace $0x8000004C;
	[dreg:$0x1] =	wrdreg $0xFFFFFFFF  }
0x34: {  	s28 =	simm.s32 $_size_execute0_lowered;
	s4 =	sadd.s32 s4, s6;
	[dreg:$0x0] =	wrdreg $0x0  }
0x35: {  	s6 =	sshll.u32 s28, $0x1;
	[dreg:$0x2] =	wrdreg s4  }
0x36: {  	[dreg:$0x3] =	wrdreg s6  }
0x37: {  	[dreg:$0x4] =	wrdreg $0xC0  }
0x38: {  	_ =	task [dreg:s23], $0x5FFFF  }
0x39: {  	[dreg:$0x1] =	wrdreg $0xFFFFFFFF  }
0x3a: {  	[dreg:$0x0] =	wrdreg $0x60  }
0x3b: {  	[dreg:$0x2] =	wrdreg s25  }
0x3c: {  	[dreg:$0x3] =	wrdreg s18  }
0x3d: {  	[dreg:$0x4] =	wrdreg $0x9  }
0x3e: {  	_ =	task.clear_ibuf [dreg:s23], $0x5FFFF;
	_ =	strace $0x9000004C  }
0x3f: {  	s29 =	simm.s32 $0x9;
	_ =	strace $0x8000004E  }
0x40: {  	_ =	swait.ge [sflag:s29], $0x1  }
0x41: {  	[sflag:s29] =	ssyncadd.s32 $0xFFFFFFFF  }
0x42: {  	_ =	strace $0x9000004E  }
0x43: {  	_ =	sfence  }
0x44: {  	s30 =	sld [smem:$0x0];
	_ =	sdelay $0x2  }
0x45: {  	s31 =	sshll.u32 s1, $0xD;
	s1 =	sshrl.u32 s1, $0x2  }
0x46: {  	s4 =	sand.u32 $0x4000, s31;
	s1 =	sadd.s32 s1, s30  }
0x47: {  	s0 =	sor.u32 s4, s0;
	s1 =	sshll.u32 s1, $0x11  }
0x48: {  	s0 =	sor.u32 s1, s0  }
0x49: {  	s0 =	sadd.s32 $0x8F2B, s0  }
0x4a: {  	[sflag:s0] =	ssyncadd.remote.s32 $0x1  }
0x4b: {  	_ =	sfence.sel $0xFFFF  }
0x4c: {  	[dreg:$0x0] =	wrdreg $0xFFFFFFFF;
	(pc) =	sbr.abs _section_cstart, $3  }
0x4d: {  	[dreg:$0x1] =	wrdreg $0xFFFFFFFF  }
0x4e: {  	_ =	task.clear_ibuf [dreg:s23], $0x2FFFF;
	_ =	strace $0x9FFFFFFF  }
0x4f: {  	(tm) =	ssettm $0x7FFFFFFF  }
tec
execute0_lowered:
.L_overlay_start_1:
0x0: {  	(tag) =	ssettag $0x1  }
0x1: {  	s0 =	srdreg.scid  }
0x2: {  	s1 =	sshll.u32 s0, $0x4  }
0x3: {  	s0 =	stileid.u32;
	s1 =	sand.u32 $0x10, s1  }
0x4: {  	s1 =	sor.u32 s0, s1  }
0x5: {  	s6 =	rddreg [dreg:$0x0];
	s4 =	simm.s32 $0x1;
	s2 =	sshll.u32 s1, $0x7  }
0x6: {  	s7 =	simm.s32 $0x2;
	s12 =	simm.s32 $0x0;
	s1 =	ssub.s32 $0x1000, s2  }
0x7: {  	s8 =	simm.s32 $0x8000;
	s13 =	simm.s32 $0x0;
	s3 =	sand.u32 $0xF80, s1  }
0x8: {  	s9 =	simm.s32 $0x0;
	s5 =	sshrl.u32 s1, $0xC;
	p0 =	sne.s32 s3, $0x0  }
.Ltmp0:
0x9: {  	s1 =	rddreg [dreg:$0x2];
	s4 =	simm.s32 @!p0 $0x0;
	(pc) =	sbr.rel .LBB1_1-.Ltmp0, $4  }
0xa: {  	s11 =	simm.s32 $0x0;
	s3 =	rddreg [dreg:$0x1];
	s5 =	sadd.s32 s4, s5  }
0xb: {  	_ =	strace $0x8000004D;
	s4 =	simm.s32 $0x1;
	s5 =	smul.u32 $0xC8, s5  }
0xc: {  	s6 =	sadd.s32 $0x1EB8000, s6;
	s10 =	smov.u32 s2;
	[sflag:s4] =	ssyncpa.u1 $0x0  }
0xd: {  	p0 =	por $0x0, $0x0;
	[sflag:s7] =	ssyncpa.u1 $0x0;
	s7 =	sor.u32 $0x1, s5  }
.LBB1_4:
0xe: {  	s16 =	sshll.u32 s13, $0x3;
	s17 =	sand.u32 $0x78, s13  }
0xf: {  	s30 =	sand.u32 $0x7E00, s13;
	s12 =	sshll.u32 s12, $0xF;
	s16 =	sand.u32 $0xC00, s16  }
0x10: {  	[tilespmem:s15+$0x810 ss:$0x81] =	vst.msk $0xffff, v2;
	s31 =	sand.u32 $0x7, s13;
	s16 =	sor.u32 s17, s16;
	s17 =	sadd.s32 s3, s30  }
0x11: {  	[tilespmem:s15+$0x1020 ss:$0x81] =	vst.msk $0xffff, v0;
	s13 =	sshll.u32 s31, $0x12;
	s12 =	sadd.s32 s12, s17;
	s16 =	sshrl.u32 s16, $0x3  }
0x12: {  	[tilespmem:s15+$0x0 ss:$0x81] =	vst.msk $0xffff, v1;
	s13 =	sor.u32 $0x400, s13;
	s12 =	sadd.s32 s16, s12  }
0x13: {  	[hbm4b:s12+s13] =	stream.strided.scatter [tilespmem:s14], [sflag:$0x2], $0x2000, s8, s13, $0x20;
	[tilespmem:$0x8080] =	vst v63  }
.LBB1_5:
0x14: {  	s14 =	sadd.s32 $0x1, s9  }
0x15: {  	s12 =	sadd.s32 $0x1000, s10;
	s16 =	smov.u32 s10;
	p2 =	sgt.s32 s14, $0xC7  }
0x16: {  	s16 =	smov.u32 @p2 s12  }
0x17: {  	s14 =	simm.s32 @p2 $0x0;
	p2 =	sgt.s32 s16, $0xFFF  }
0x18: {  	s16 =	smov.u32 @p2 s2;
	p2 =	sne.s32 s11, s7  }
.Ltmp1:
0x19: {  	p1 =	slt.u32 s11, $0x2;
	(pc) =	sbr.rel @!p2 .LBB1_6-.Ltmp1, $4  }
0x1a: {  	s15 =	simm.s32 @!p1 $0x2  }
0x1b: {  	s13 =	smov.u32 s10;
	p0 =	por !p0, !p0;
	_ =	swait.ge @!p1 [sflag:s15], $0x2000  }
0x1c: {  	s12 =	smov.u32 s9;
	[sflag:s15] =	ssyncset.done @!p1 $0x0;
	s9 =	smov.u32 s14  }
0x1d: {  	s11 =	sadd.s32 $0x1, s11;
	[sflag:s15] =	ssyncadd.s32 @!p1 $0xFFFFE000;
	s10 =	smov.u32 s16  }
.LBB1_1:
0x1e: {  	p1 =	sge.u32 s11, s5  }
0x1f: {  	s14 =	sand.u32 @!p1 $0x1FFFFFF, s9  }
0x20: {  	s15 =	smulhi.u32 @!p1 $0x147AE15, s14;
	_ =	sdelay $0x1  }
0x21: {  	s15 =	smul.u32 @!p1 $0xC8, s15  }
0x22: {  	s16 =	sxor.u32 @!p1 $0xFFFFFFFF, s11;
	s17 =	smul.u32 @!p1 $0xC80, s10  }
0x23: {  	s31 =	sadd.s32 $0xFFFFFFFF, s11;
	s16 =	sshll.u32 @!p1 s16, $0xD;
	s14 =	ssub.s32 @!p1 s14, s15  }
0x24: {  	s15 =	sand.u32 @!p1 $0x2000, s16;
	s16 =	sadd.s32 @!p1 s6, s17;
	s14 =	sshll.u32 @!p1 s14, $0x4  }
0x25: {  	s17 =	simm.s32 @!p1 $0x6400;
	s14 =	sadd.s32 @!p1 s14, s16;
	s16 =	simm.s32 @!p1 $0x40  }
0x26: {  	[tilespmem:s15], [sflag:$0x1] =	stream.strided.gather @!p1 [hbm4b:s14+s16], $0x2000, s17, s16, $0x38;
	[tilespmem:$0x8080] =	vst v63  }
0x27: {  	p1 =	sge.u32 s31, s5  }
.Ltmp2:
0x28: {  	_ = 	snop;
	(pc) =	sbr.rel @p1 .LBB1_5-.Ltmp2, $1  }
0x29: {  	_ =	sdelay $0x3  }
0x2a: {  	s14 =	simm.s32 $0x1  }
0x2b: {  	_ =	swait.ge [sflag:s4], $0x2000;
	s14 =	simm.s32 @!p0 $0x0  }
0x2c: {  	[sflag:s4] =	ssyncset.done $0x0;
	s15 =	sshll.u32 s14, $0xD  }
0x2d: {  	[sflag:s4] =	ssyncadd.s32 $0xFFFFE000;
	s18 =	sor.u32 $0x20, s15  }
0x2e: {  	s14 =	smul.u32 $0x8100, s14;
	v3 =	vld [tilespmem:s18+$0x10]  }
0x2f: {  	s30 =	sand.u32 $0x1, s11;
	v2 =	vld [tilespmem:s18+$0xFFFFFFF0]  }
0x30: {  	s15 =	smul.u32 $0x8100, s30;
	s14 =	sshrl.u32 s14, $0x2;
	v0 =	vld [tilespmem:s18+$0x0]  }
0x31: {  	v1 =	vld [tilespmem:s18+$0xFFFFFFE0];
	s16 =	sor.u32 $0x4000, s14  }
0x32: {  	s31 =	sshrl.u32 s15, $0x2;
	s15 =	sadd.s32 $0x0, s16  }
0x33: {  	s17 =	simm.s32 $0x4;
	s18 =	sadd.s32 $0x40, s18;
	s14 =	sor.u32 $0x4000, s31;
	[tilespmem:s15+$0x1830 ss:$0x81] =	vst.msk $0xffff, v3  }
.LBB1_3:
0x34: {  	v3 =	vld [tilespmem:s18+$0x10];
	p1 =	sne.s32 s17, $0x1FC;
	[tilespmem:s15+$0x810 ss:$0x81] =	vst.msk $0xffff, v2;
	s19 =	smov.u32 s17;
	s17 =	sadd.s32 $0x4, s17  }
.Ltmp3:
0x35: {  	v2 =	vld [tilespmem:s18+$0xFFFFFFF0];
	[tilespmem:s15+$0x1020 ss:$0x81] =	vst.msk $0xffff, v0;
	(pc) =	sbr.rel @p1 .LBB1_3-.Ltmp3, $4  }
0x36: {  	v0 =	vld [tilespmem:s18+$0x0];
	[tilespmem:s15+$0x0 ss:$0x81] =	vst.msk $0xffff, v1  }
0x37: {  	s15 =	sshra.s32 s19, $0x2;
	v1 =	vld [tilespmem:s18+$0xFFFFFFE0]  }
0x38: {  	s15 =	sadd.s32 s15, s16  }
0x39: {  	s18 =	sadd.s32 $0x40, s18;
	[tilespmem:s15+$0x1830 ss:$0x81] =	vst.msk $0xffff, v3  }
.Ltmp4:
0x3a: {  	_ = 	snop;
	(pc) =	sbr.rel .LBB1_4-.Ltmp4, $1  }
0x3b: {  	_ =	sdelay $0x3  }
.LBB1_6:
0x3c: {  	_ =	sfence.sel $0x180000  }
0x3d: {  	s2 =	simm.s32 $0x1;
	[bflag:$0x0] =	sbarrier.arrive $0xFFFF  }
0x3e: {  	s31 =	simm.s32 $0x2;
	[sflag:s2] =	ssyncpa.u1 $0x1  }
0x3f: {  	[sflag:s31] =	ssyncpa.u1 $0x1  }
0x40: {  	p0 =	sne.s32 s0, $0x0;
	_ =	strace $0x9000004D  }
0x41: {  	s0 =	sadd.s32 @!p0 $0x100000, s1;
	[bflag:$0x2] =	sbarrier.arrive $0xFFFF  }
0x42: {  	[sflag:s0] =	ssyncadd.tile.s32 @!p0 $0x1;
	_ =	shalt  }
.Lfunc_end1:
_tile_overlayer_lowered:
.L_overlay_start_2:
0x43: {  	(tag) =	ssettag $0x2  }
0x44: {  	s0 =	rddreg [dreg:$0x0];
	s2 =	stileid.u32  }
0x45: {  	s1 =	rddreg [dreg:$0x1];
	p0 =	sne.s32 s2, $0x0  }
0x46: {  	s3 =	rddreg [dreg:$0x2];
	[bflag:$0x3] =	sbarrier.arrive $0xFFFF;
	s2 =	simm.s32 @!p0 $0x1C01  }
0x47: {  	[timem:s3], [sflag:s2] =	dma.local @!p0 [hbm:s0], s1  }
0x48: {  	s0 =	simm.s32 @!p0 $0x1  }
0x49: {  	_ =	swait.ge @!p0 [sflag:s0], s1  }
0x4a: {  	s1 =	ssub.s32 @!p0 $0x0, s1;
	[sflag:s0] =	ssyncset.done @!p0 $0x0  }
0x4b: {  	[sflag:s0] =	ssyncadd.s32 @!p0 s1  }
0x4c: {  	[bflag:$0x3] =	sbarrier.arrive $0xFFFF  }
0x4d: {  	_ =	shalt  }

</sc_bundles>
